<compile_context>
chip_gen: v7x
topology: tpu7x:2x2x1
jax: 0.10.2.dev20260603
libtpu: 0.0.44.dev20260713+nightly
codegen_flags: <defaults>
</compile_context>

<pallas_src>
import functools

import jax
import jax.numpy as jnp
from jax import lax
from jax.experimental import pallas as pl
from jax.experimental.pallas import tpu as pltpu
from jax.experimental.pallas import tpu_sc as plsc

NC = 2
NS = 16
CHUNK = 128


def _sc_aggregate(n_rows, nch, dh):
    rpt = n_rows // NS
    nsup = nch // 2

    mesh = plsc.VectorSubcoreMesh(core_axis_name="c", subcore_axis_name="s")

    @functools.partial(
        pl.kernel,
        out_type=(
            jax.ShapeDtypeStruct((n_rows, 2 * dh), jnp.float32),
            jax.ShapeDtypeStruct((NC, n_rows, 16), jnp.float32),
        ),
        mesh=mesh,
        scratch_types=[
            pltpu.VMEM((nch, CHUNK), jnp.int32),
            pltpu.VMEM((nch, CHUNK), jnp.int32),
            pltpu.VMEM((CHUNK, dh), jnp.float32),
            pltpu.VMEM((CHUNK, dh), jnp.float32),
            pltpu.VMEM((CHUNK, 16), jnp.float32),
            pltpu.VMEM_SHARED((n_rows, dh), jnp.float32),
            pltpu.VMEM_SHARED((n_rows, 16), jnp.float32),
            pltpu.SemaphoreType.DMA,
            pltpu.SemaphoreType.DMA,
        ],
        compiler_params=pltpu.CompilerParams(use_tc_tiling_on_sc=False),
    )
    def sc_kernel(x_hbm, src_hbm, dst_hbm,
                  agg_out, deg_out,
                  src_v, dst_v, buf0, buf1, ones_v, agg_sh, deg_sh,
                  gsem0, gsem1):
        cid = lax.axis_index("c")
        sid = lax.axis_index("s")
        wid = cid * NS + sid
        base = sid * rpt

        pltpu.sync_copy(src_hbm.at[wid], src_v)
        pltpu.sync_copy(dst_hbm.at[sid], dst_v)

        zv = jnp.zeros((16,), jnp.float32)

        def zrow(r, carry):
            for gc in range(dh // 16):
                buf0[r, pl.ds(16 * gc, 16)] = zv
            ones_v[r, pl.ds(0, 16)] = zv
            return carry

        lax.fori_loop(0, CHUNK, zrow, 0, unroll=False)

        full = rpt // CHUNK
        tail = rpt - full * CHUNK
        for k in range(full):
            pltpu.sync_copy(buf0, agg_sh.at[pl.ds(base + k * CHUNK, CHUNK)])
            pltpu.sync_copy(ones_v, deg_sh.at[pl.ds(base + k * CHUNK, CHUNK)])
        if tail:
            pltpu.sync_copy(buf0.at[pl.ds(0, tail)],
                            agg_sh.at[pl.ds(base + full * CHUNK, tail)])
            pltpu.sync_copy(ones_v.at[pl.ds(0, tail)],
                            deg_sh.at[pl.ds(base + full * CHUNK, tail)])

        ov = jnp.ones((16,), jnp.float32)

        def orow(r, carry):
            ones_v[r, pl.ds(0, 16)] = ov
            return carry

        lax.fori_loop(0, CHUNK, orow, 0, unroll=False)
        plsc.subcore_barrier()

        pltpu.async_copy(x_hbm.at[src_v.at[0]], buf0, gsem0)

        def body(g, carry):
            pltpu.async_copy(x_hbm.at[src_v.at[g + 1]], buf1, gsem1)
            pltpu.make_async_copy(x_hbm.at[src_v.at[g]], buf0, gsem0).wait()
            pltpu.sync_copy(buf0, agg_sh.at[dst_v.at[g]], add=True)

            @pl.when(cid == 0)
            def _():
                pltpu.sync_copy(ones_v, deg_sh.at[dst_v.at[g]], add=True)

            @pl.when(g + 2 < nch)
            def _():
                pltpu.async_copy(x_hbm.at[src_v.at[g + 2]], buf0, gsem0)

            pltpu.make_async_copy(x_hbm.at[src_v.at[g + 1]], buf1, gsem1).wait()
            pltpu.sync_copy(buf1, agg_sh.at[dst_v.at[g + 1]], add=True)

            @pl.when(cid == 1)
            def _():
                pltpu.sync_copy(ones_v, deg_sh.at[dst_v.at[g + 1]], add=True)

            return carry

        lax.fori_loop(0, nsup, lambda i, c: body(2 * i, c), 0, unroll=False)

        plsc.subcore_barrier()

        @pl.when(cid == 0)
        def _():
            pltpu.sync_copy(agg_sh.at[pl.ds(base, rpt)],
                            agg_out.at[pl.ds(base, rpt), pl.ds(0, dh)])

        @pl.when(cid == 1)
        def _():
            pltpu.sync_copy(agg_sh.at[pl.ds(base, rpt)],
                            agg_out.at[pl.ds(base, rpt), pl.ds(dh, dh)])

        pltpu.sync_copy(deg_sh.at[pl.ds(base, rpt)],
                        deg_out.at[cid, pl.ds(base, rpt)])

    return sc_kernel


def _tc_transform(n_nodes, d_feat, block_rows):

    def body(x_ref, p_ref, dp_ref, wn_ref, ws_ref, b_ref, out_ref):
        deg = dp_ref[0, :, 0:1] + dp_ref[1, :, 0:1]
        agg = p_ref[...] / jnp.maximum(deg, 1.0)
        acc = jnp.dot(agg, wn_ref[...], preferred_element_type=jnp.float32)
        acc += jnp.dot(x_ref[...], ws_ref[...], preferred_element_type=jnp.float32)
        out_ref[...] = jnp.maximum(acc + b_ref[...], 0.0)

    grid = n_nodes // block_rows
    return pl.pallas_call(
        body,
        grid=(grid,),
        in_specs=[
            pl.BlockSpec((block_rows, d_feat), lambda i: (i, 0)),
            pl.BlockSpec((block_rows, d_feat), lambda i: (i, 0)),
            pl.BlockSpec((NC, block_rows, 16), lambda i: (0, i, 0)),
            pl.BlockSpec((d_feat, d_feat), lambda i: (0, 0)),
            pl.BlockSpec((d_feat, d_feat), lambda i: (0, 0)),
            pl.BlockSpec((1, d_feat), lambda i: (0, 0)),
        ],
        out_specs=pl.BlockSpec((block_rows, d_feat), lambda i: (i, 0)),
        out_shape=jax.ShapeDtypeStruct((n_nodes, d_feat), jnp.float32),
        compiler_params=pltpu.CompilerParams(
            dimension_semantics=("arbitrary",),
        ),
    )


def kernel(x, edge_index, W_self, W_neigh, b):
    n, d = x.shape
    dh = d // 2
    e = edge_index.shape[1]

    nch = -(-e // (NS * CHUNK))
    nch += nch % 2
    e_pad = NS * CHUNK * nch
    src = jnp.concatenate(
        [edge_index[0], jnp.zeros((e_pad - e,), jnp.int32)]).reshape(NS, nch, CHUNK)
    src = jnp.stack([src, src + n]).reshape(NC * NS, nch, CHUNK)
    dst = jnp.concatenate(
        [edge_index[1], jnp.full((e_pad - e,), n, jnp.int32)]).reshape(NS, nch, CHUNK)

    xcat = jnp.concatenate([x[:, :dh], x[:, dh:]], axis=0)

    rpt = 8 * (-(-(n + 1) // (NS * 8)))
    n_rows = NS * rpt

    agg, deg_p = _sc_aggregate(n_rows, nch, dh)(xcat, src, dst)

    block_rows = 1000 if n % 1000 == 0 else 8
    out = _tc_transform(n, d, block_rows)(
        x, agg, deg_p, W_neigh, W_self, b.reshape(1, d))
    return out

# --- scband reference (transcript-rebuilt; emitter-appended) ---
"""Pipeline reference for scband-gnn-68985764708764 (READ-ONLY COPY).

The authoritative reference and input builder live on the scoring server;
editing this copy changes nothing except your own understanding.
"""

import jax, jax.numpy as jnp
import numpy as np

N_NODES = 10000
N_EDGES = 320000
D_FEAT = 128


def setup_inputs(seed: int = 0) -> dict:
    key = jax.random.key(seed)
    k1, k2, k3, k4, k5 = jax.random.split(key, 5)
    x = jax.random.normal(k1, (N_NODES, D_FEAT), dtype=jnp.float32)
    edge_index = jax.random.randint(k2, (2, N_EDGES), 0, N_NODES, dtype=jnp.int32)
    # Learned parameters for one message-passing layer (GraphConv style)
    scale = 1.0 / np.sqrt(D_FEAT)
    W_self = jax.random.normal(k3, (D_FEAT, D_FEAT), dtype=jnp.float32) * scale
    W_neigh = jax.random.normal(k4, (D_FEAT, D_FEAT), dtype=jnp.float32) * scale
    b = jnp.zeros((D_FEAT,), dtype=jnp.float32)
    return {"x": x, "edge_index": edge_index, "W_self": W_self, "W_neigh": W_neigh, "b": b}


def reference(x, edge_index, W_self, W_neigh, b):
    # One GNN message-passing step: gather source node features along edges,
    # scatter-add (segment-sum) into destination nodes, mean-normalize by
    # in-degree, then apply a linear transform with a self-loop term.
    src = edge_index[0]
    dst = edge_index[1]
    msgs = jnp.take(x, src, axis=0)                       # gather  [E, D]
    agg = jax.ops.segment_sum(msgs, dst, num_segments=N_NODES)   # scatter-add [N, D]
    deg = jax.ops.segment_sum(jnp.ones((msgs.shape[0],), dtype=x.dtype), dst,
                              num_segments=N_NODES)
    agg = agg / jnp.clip(deg, 1.0, None)[:, None]
    out = agg @ W_neigh + x @ W_self + b
    return jax.nn.relu(out)

if __name__ == "__main__":
    import jax
    _d = setup_inputs()
    print(jax.jit(kernel)(*tuple(_d.values())))

</pallas_src>

<mosaic_0001>
#map = affine_map<(d0, d1) -> (0, 0)>
#map1 = affine_map<(d0, d1) -> (0, 0, 0)>
module attributes {stable_mosaic.version = 14 : i64} {
  func.func @sc_kernel(%arg0: i32, %arg1: i32, %arg2: memref<20000x64xf32, #tpu.memory_space<hbm>>, %arg3: memref<32x158x128xi32, #tpu.memory_space<hbm>>, %arg4: memref<16x158x128xi32, #tpu.memory_space<hbm>>, %arg5: memref<10112x128xf32, #tpu.memory_space<hbm>>, %arg6: memref<2x10112x16xf32, #tpu.memory_space<hbm>>, %arg7: memref<158x128xi32, #tpu.memory_space<vmem>>, %arg8: memref<158x128xi32, #tpu.memory_space<vmem>>, %arg9: memref<128x64xf32, #tpu.memory_space<vmem>>, %arg10: memref<128x64xf32, #tpu.memory_space<vmem>>, %arg11: memref<128x16xf32, #tpu.memory_space<vmem>>, %arg12: memref<10112x64xf32, #tpu.memory_space<vmem_shared>>, %arg13: memref<10112x16xf32, #tpu.memory_space<vmem_shared>>, %arg14: memref<!tpu.dma_semaphore, #tpu.memory_space<semaphore_mem>>, %arg15: memref<!tpu.dma_semaphore, #tpu.memory_space<semaphore_mem>>) attributes {dimension_semantics = [#tpu.dimension_semantics<core_parallel>, #tpu.dimension_semantics<subcore_parallel>], iteration_bounds = array<i64: 2, 16>, scalar_prefetch = 0 : i64, scratch_operands = 9 : i64, tpu.core_type = #tpu.core_type<sc_vector_subcore>, window_params = [{transform_indices = #map}, {transform_indices = #map1}, {transform_indices = #map1}, {transform_indices = #map}, {transform_indices = #map1}]} {
    %mul3A = arith.constant 16 : i32
    %mul3A_0 = arith.muli %arg0, %mul3A : i32
    %add3A = arith.addi %mul3A_0, %arg1 : i32
    %mul3A_1 = arith.constant 632 : i32
    %mul3A_2 = arith.muli %arg1, %mul3A_1 : i32
    "tpu.region"() ({
      %run_scoped3A = tpu.sem_alloc : memref<!tpu.dma_semaphore, #tpu.memory_space<semaphore_mem>>
      %dma_start3A_57 = arith.constant 0 : i32
      %dma_start3A_58 = arith.constant 0 : i32
      %dma_start3A_59 = tpu.memref_slice %arg3[%add3A, %dma_start3A_57, %dma_start3A_58] : memref<32x158x128xi32, #tpu.memory_space<hbm>> -> memref<1x158x128xi32, #tpu.memory_space<hbm>>
      %dma_start3A_60 = tpu.memref_squeeze %dma_start3A_59 : memref<1x158x128xi32, #tpu.memory_space<hbm>> -> memref<158x128xi32, #tpu.memory_space<hbm>>
      %dma_start3A_61 = arith.constant 0 : i32
      %dma_start3A_62 = arith.constant 0 : i32
      %dma_start3A_63 = tpu.memref_slice %arg3[%add3A, %dma_start3A_61, %dma_start3A_62] : memref<32x158x128xi32, #tpu.memory_space<hbm>> -> memref<1x158x128xi32, #tpu.memory_space<hbm>>
      %dma_start3A_64 = tpu.memref_squeeze %dma_start3A_63 : memref<1x158x128xi32, #tpu.memory_space<hbm>> -> memref<158x128xi32, #tpu.memory_space<hbm>>
      tpu.enqueue_dma source(%dma_start3A_64 : memref<158x128xi32, #tpu.memory_space<hbm>>) target(%arg7 : memref<158x128xi32, #tpu.memory_space<vmem>>) target_semaphore(%run_scoped3A : memref<!tpu.dma_semaphore, #tpu.memory_space<semaphore_mem>>)
      %dma_wait3A = arith.constant 0 : i32
      %dma_wait3A_65 = arith.constant 0 : i32
      %dma_wait3A_66 = tpu.memref_slice %arg3[%add3A, %dma_wait3A, %dma_wait3A_65] : memref<32x158x128xi32, #tpu.memory_space<hbm>> -> memref<1x158x128xi32, #tpu.memory_space<hbm>>
      %dma_wait3A_67 = tpu.memref_squeeze %dma_wait3A_66 : memref<1x158x128xi32, #tpu.memory_space<hbm>> -> memref<158x128xi32, #tpu.memory_space<hbm>>
      %dma_wait3A_68 = arith.constant 0 : i32
      %dma_wait3A_69 = arith.constant 0 : i32
      %dma_wait3A_70 = tpu.memref_slice %arg3[%add3A, %dma_wait3A_68, %dma_wait3A_69] : memref<32x158x128xi32, #tpu.memory_space<hbm>> -> memref<1x158x128xi32, #tpu.memory_space<hbm>>
      %dma_wait3A_71 = tpu.memref_squeeze %dma_wait3A_70 : memref<1x158x128xi32, #tpu.memory_space<hbm>> -> memref<158x128xi32, #tpu.memory_space<hbm>>
      tpu.wait_dma2 semaphore(%run_scoped3A : memref<!tpu.dma_semaphore, #tpu.memory_space<semaphore_mem>>) src(%dma_wait3A_71 : memref<158x128xi32, #tpu.memory_space<hbm>>) dst(%arg7 : memref<158x128xi32, #tpu.memory_space<vmem>>)
      tpu.yield
    }) : () -> ()
    "tpu.region"() ({
      %run_scoped3A = tpu.sem_alloc : memref<!tpu.dma_semaphore, #tpu.memory_space<semaphore_mem>>
      %dma_start3A_57 = arith.constant 0 : i32
      %dma_start3A_58 = arith.constant 0 : i32
      %dma_start3A_59 = tpu.memref_slice %arg4[%arg1, %dma_start3A_57, %dma_start3A_58] : memref<16x158x128xi32, #tpu.memory_space<hbm>> -> memref<1x158x128xi32, #tpu.memory_space<hbm>>
      %dma_start3A_60 = tpu.memref_squeeze %dma_start3A_59 : memref<1x158x128xi32, #tpu.memory_space<hbm>> -> memref<158x128xi32, #tpu.memory_space<hbm>>
      %dma_start3A_61 = arith.constant 0 : i32
      %dma_start3A_62 = arith.constant 0 : i32
      %dma_start3A_63 = tpu.memref_slice %arg4[%arg1, %dma_start3A_61, %dma_start3A_62] : memref<16x158x128xi32, #tpu.memory_space<hbm>> -> memref<1x158x128xi32, #tpu.memory_space<hbm>>
      %dma_start3A_64 = tpu.memref_squeeze %dma_start3A_63 : memref<1x158x128xi32, #tpu.memory_space<hbm>> -> memref<158x128xi32, #tpu.memory_space<hbm>>
      tpu.enqueue_dma source(%dma_start3A_64 : memref<158x128xi32, #tpu.memory_space<hbm>>) target(%arg8 : memref<158x128xi32, #tpu.memory_space<vmem>>) target_semaphore(%run_scoped3A : memref<!tpu.dma_semaphore, #tpu.memory_space<semaphore_mem>>)
      %dma_wait3A = arith.constant 0 : i32
      %dma_wait3A_65 = arith.constant 0 : i32
      %dma_wait3A_66 = tpu.memref_slice %arg4[%arg1, %dma_wait3A, %dma_wait3A_65] : memref<16x158x128xi32, #tpu.memory_space<hbm>> -> memref<1x158x128xi32, #tpu.memory_space<hbm>>
      %dma_wait3A_67 = tpu.memref_squeeze %dma_wait3A_66 : memref<1x158x128xi32, #tpu.memory_space<hbm>> -> memref<158x128xi32, #tpu.memory_space<hbm>>
      %dma_wait3A_68 = arith.constant 0 : i32
      %dma_wait3A_69 = arith.constant 0 : i32
      %dma_wait3A_70 = tpu.memref_slice %arg4[%arg1, %dma_wait3A_68, %dma_wait3A_69] : memref<16x158x128xi32, #tpu.memory_space<hbm>> -> memref<1x158x128xi32, #tpu.memory_space<hbm>>
      %dma_wait3A_71 = tpu.memref_squeeze %dma_wait3A_70 : memref<1x158x128xi32, #tpu.memory_space<hbm>> -> memref<158x128xi32, #tpu.memory_space<hbm>>
      tpu.wait_dma2 semaphore(%run_scoped3A : memref<!tpu.dma_semaphore, #tpu.memory_space<semaphore_mem>>) src(%dma_wait3A_71 : memref<158x128xi32, #tpu.memory_space<hbm>>) dst(%arg8 : memref<158x128xi32, #tpu.memory_space<vmem>>)
      tpu.yield
    }) : () -> ()
    %broadcast_in_dim3A = arith.constant 0.000000e+00 : f32
    %broadcast_in_dim3A_3 = vector.broadcast %broadcast_in_dim3A : f32 to vector<16xf32>
    %scan3A = arith.constant 0 : i32
    %scan3A_4 = arith.constant 0 : i32
    %scan3A_5 = arith.constant 128 : i32
    %scan3A_6 = arith.addi %scan3A_4, %scan3A_5 : i32
    %scan3A_7 = arith.constant 1 : i32
    scf.for %scan3A_57 = %scan3A_4 to %scan3A_6 step %scan3A_7  : i32 {
      %swap3A = arith.index_cast %scan3A_57 : i32 to index
      %swap3A_58 = arith.constant 0 : index
      %swap3A_59 = tpu.vector_load %arg9[%swap3A, %swap3A_58] {strides = array<i32>} : memref<128x64xf32, #tpu.memory_space<vmem>>, vector<1x16xf32>,
      %swap3A_60 = vector.shape_cast %swap3A_59 : vector<1x16xf32> to vector<16xf32>
      %swap3A_61 = vector.shape_cast %broadcast_in_dim3A_3 : vector<16xf32> to vector<1x16xf32>
      tpu.vector_store %arg9[%swap3A, %swap3A_58], %swap3A_61 {strides = array<i32>} : memref<128x64xf32, #tpu.memory_space<vmem>>, vector<1x16xf32>,
      %swap3A_62 = arith.index_cast %scan3A_57 : i32 to index
      %swap3A_63 = arith.constant 16 : index
      %swap3A_64 = tpu.vector_load %arg9[%swap3A_62, %swap3A_63] {strides = array<i32>} : memref<128x64xf32, #tpu.memory_space<vmem>>, vector<1x16xf32>,
      %swap3A_65 = vector.shape_cast %swap3A_64 : vector<1x16xf32> to vector<16xf32>
      %swap3A_66 = vector.shape_cast %broadcast_in_dim3A_3 : vector<16xf32> to vector<1x16xf32>
      tpu.vector_store %arg9[%swap3A_62, %swap3A_63], %swap3A_66 {strides = array<i32>} : memref<128x64xf32, #tpu.memory_space<vmem>>, vector<1x16xf32>,
      %swap3A_67 = arith.index_cast %scan3A_57 : i32 to index
      %swap3A_68 = arith.constant 32 : index
      %swap3A_69 = tpu.vector_load %arg9[%swap3A_67, %swap3A_68] {strides = array<i32>} : memref<128x64xf32, #tpu.memory_space<vmem>>, vector<1x16xf32>,
      %swap3A_70 = vector.shape_cast %swap3A_69 : vector<1x16xf32> to vector<16xf32>
      %swap3A_71 = vector.shape_cast %broadcast_in_dim3A_3 : vector<16xf32> to vector<1x16xf32>
      tpu.vector_store %arg9[%swap3A_67, %swap3A_68], %swap3A_71 {strides = array<i32>} : memref<128x64xf32, #tpu.memory_space<vmem>>, vector<1x16xf32>,
      %swap3A_72 = arith.index_cast %scan3A_57 : i32 to index
      %swap3A_73 = arith.constant 48 : index
      %swap3A_74 = tpu.vector_load %arg9[%swap3A_72, %swap3A_73] {strides = array<i32>} : memref<128x64xf32, #tpu.memory_space<vmem>>, vector<1x16xf32>,
      %swap3A_75 = vector.shape_cast %swap3A_74 : vector<1x16xf32> to vector<16xf32>
      %swap3A_76 = vector.shape_cast %broadcast_in_dim3A_3 : vector<16xf32> to vector<1x16xf32>
      tpu.vector_store %arg9[%swap3A_72, %swap3A_73], %swap3A_76 {strides = array<i32>} : memref<128x64xf32, #tpu.memory_space<vmem>>, vector<1x16xf32>,
      %swap3A_77 = arith.index_cast %scan3A_57 : i32 to index
      %swap3A_78 = arith.constant 0 : index
      %swap3A_79 = tpu.vector_load %arg11[%swap3A_77, %swap3A_78] {strides = array<i32>} : memref<128x16xf32, #tpu.memory_space<vmem>>, vector<1x16xf32>,
      %swap3A_80 = vector.shape_cast %swap3A_79 : vector<1x16xf32> to vector<16xf32>
      %swap3A_81 = vector.shape_cast %broadcast_in_dim3A_3 : vector<16xf32> to vector<1x16xf32>
      tpu.vector_store %arg11[%swap3A_77, %swap3A_78], %swap3A_81 {strides = array<i32>} : memref<128x16xf32, #tpu.memory_space<vmem>>, vector<1x16xf32>,
    }
    %scan3A_8 = arith.constant 128 : i32
    %add3A_9 = arith.constant 0 : i32
    %add3A_10 = arith.addi %mul3A_2, %add3A_9 : i32
    "tpu.region"() ({
      %run_scoped3A = tpu.sem_alloc : memref<!tpu.dma_semaphore, #tpu.memory_space<semaphore_mem>>
      %dma_start3A_57 = arith.constant 0 : i32
      %dma_start3A_58 = tpu.memref_slice %arg12[%add3A_10, %dma_start3A_57] : memref<10112x64xf32, #tpu.memory_space<vmem_shared>> -> memref<128x64xf32, #tpu.memory_space<vmem_shared>>
      %dma_start3A_59 = arith.constant 0 : i32
      %dma_start3A_60 = tpu.memref_slice %arg12[%add3A_10, %dma_start3A_59] : memref<10112x64xf32, #tpu.memory_space<vmem_shared>> -> memref<128x64xf32, #tpu.memory_space<vmem_shared>>
      tpu.enqueue_dma source(%arg9 : memref<128x64xf32, #tpu.memory_space<vmem>>) target(%dma_start3A_60 : memref<128x64xf32, #tpu.memory_space<vmem_shared>>) target_semaphore(%run_scoped3A : memref<!tpu.dma_semaphore, #tpu.memory_space<semaphore_mem>>)
      %dma_wait3A = arith.constant 0 : i32
      %dma_wait3A_61 = tpu.memref_slice %arg12[%add3A_10, %dma_wait3A] : memref<10112x64xf32, #tpu.memory_space<vmem_shared>> -> memref<128x64xf32, #tpu.memory_space<vmem_shared>>
      %dma_wait3A_62 = arith.constant 0 : i32
      %dma_wait3A_63 = tpu.memref_slice %arg12[%add3A_10, %dma_wait3A_62] : memref<10112x64xf32, #tpu.memory_space<vmem_shared>> -> memref<128x64xf32, #tpu.memory_space<vmem_shared>>
      tpu.wait_dma2 semaphore(%run_scoped3A : memref<!tpu.dma_semaphore, #tpu.memory_space<semaphore_mem>>) src(%arg9 : memref<128x64xf32, #tpu.memory_space<vmem>>) dst(%dma_wait3A_63 : memref<128x64xf32, #tpu.memory_space<vmem_shared>>)
      tpu.yield
    }) : () -> ()
    %add3A_11 = arith.constant 0 : i32
    %add3A_12 = arith.addi %mul3A_2, %add3A_11 : i32
    "tpu.region"() ({
      %run_scoped3A = tpu.sem_alloc : memref<!tpu.dma_semaphore, #tpu.memory_space<semaphore_mem>>
      %dma_start3A_57 = arith.constant 0 : i32
      %dma_start3A_58 = tpu.memref_slice %arg13[%add3A_12, %dma_start3A_57] : memref<10112x16xf32, #tpu.memory_space<vmem_shared>> -> memref<128x16xf32, #tpu.memory_space<vmem_shared>>
      %dma_start3A_59 = arith.constant 0 : i32
      %dma_start3A_60 = tpu.memref_slice %arg13[%add3A_12, %dma_start3A_59] : memref<10112x16xf32, #tpu.memory_space<vmem_shared>> -> memref<128x16xf32, #tpu.memory_space<vmem_shared>>
      tpu.enqueue_dma source(%arg11 : memref<128x16xf32, #tpu.memory_space<vmem>>) target(%dma_start3A_60 : memref<128x16xf32, #tpu.memory_space<vmem_shared>>) target_semaphore(%run_scoped3A : memref<!tpu.dma_semaphore, #tpu.memory_space<semaphore_mem>>)
      %dma_wait3A = arith.constant 0 : i32
      %dma_wait3A_61 = tpu.memref_slice %arg13[%add3A_12, %dma_wait3A] : memref<10112x16xf32, #tpu.memory_space<vmem_shared>> -> memref<128x16xf32, #tpu.memory_space<vmem_shared>>
      %dma_wait3A_62 = arith.constant 0 : i32
      %dma_wait3A_63 = tpu.memref_slice %arg13[%add3A_12, %dma_wait3A_62] : memref<10112x16xf32, #tpu.memory_space<vmem_shared>> -> memref<128x16xf32, #tpu.memory_space<vmem_shared>>
      tpu.wait_dma2 semaphore(%run_scoped3A : memref<!tpu.dma_semaphore, #tpu.memory_space<semaphore_mem>>) src(%arg11 : memref<128x16xf32, #tpu.memory_space<vmem>>) dst(%dma_wait3A_63 : memref<128x16xf32, #tpu.memory_space<vmem_shared>>)
      tpu.yield
    }) : () -> ()
    %add3A_13 = arith.constant 128 : i32
    %add3A_14 = arith.addi %mul3A_2, %add3A_13 : i32
    "tpu.region"() ({
      %run_scoped3A = tpu.sem_alloc : memref<!tpu.dma_semaphore, #tpu.memory_space<semaphore_mem>>
      %dma_start3A_57 = arith.constant 0 : i32
      %dma_start3A_58 = tpu.memref_slice %arg12[%add3A_14, %dma_start3A_57] : memref<10112x64xf32, #tpu.memory_space<vmem_shared>> -> memref<128x64xf32, #tpu.memory_space<vmem_shared>>
      %dma_start3A_59 = arith.constant 0 : i32
      %dma_start3A_60 = tpu.memref_slice %arg12[%add3A_14, %dma_start3A_59] : memref<10112x64xf32, #tpu.memory_space<vmem_shared>> -> memref<128x64xf32, #tpu.memory_space<vmem_shared>>
      tpu.enqueue_dma source(%arg9 : memref<128x64xf32, #tpu.memory_space<vmem>>) target(%dma_start3A_60 : memref<128x64xf32, #tpu.memory_space<vmem_shared>>) target_semaphore(%run_scoped3A : memref<!tpu.dma_semaphore, #tpu.memory_space<semaphore_mem>>)
      %dma_wait3A = arith.constant 0 : i32
      %dma_wait3A_61 = tpu.memref_slice %arg12[%add3A_14, %dma_wait3A] : memref<10112x64xf32, #tpu.memory_space<vmem_shared>> -> memref<128x64xf32, #tpu.memory_space<vmem_shared>>
      %dma_wait3A_62 = arith.constant 0 : i32
      %dma_wait3A_63 = tpu.memref_slice %arg12[%add3A_14, %dma_wait3A_62] : memref<10112x64xf32, #tpu.memory_space<vmem_shared>> -> memref<128x64xf32, #tpu.memory_space<vmem_shared>>
      tpu.wait_dma2 semaphore(%run_scoped3A : memref<!tpu.dma_semaphore, #tpu.memory_space<semaphore_mem>>) src(%arg9 : memref<128x64xf32, #tpu.memory_space<vmem>>) dst(%dma_wait3A_63 : memref<128x64xf32, #tpu.memory_space<vmem_shared>>)
      tpu.yield
    }) : () -> ()
    %add3A_15 = arith.constant 128 : i32
    %add3A_16 = arith.addi %mul3A_2, %add3A_15 : i32
    "tpu.region"() ({
      %run_scoped3A = tpu.sem_alloc : memref<!tpu.dma_semaphore, #tpu.memory_space<semaphore_mem>>
      %dma_start3A_57 = arith.constant 0 : i32
      %dma_start3A_58 = tpu.memref_slice %arg13[%add3A_16, %dma_start3A_57] : memref<10112x16xf32, #tpu.memory_space<vmem_shared>> -> memref<128x16xf32, #tpu.memory_space<vmem_shared>>
      %dma_start3A_59 = arith.constant 0 : i32
      %dma_start3A_60 = tpu.memref_slice %arg13[%add3A_16, %dma_start3A_59] : memref<10112x16xf32, #tpu.memory_space<vmem_shared>> -> memref<128x16xf32, #tpu.memory_space<vmem_shared>>
      tpu.enqueue_dma source(%arg11 : memref<128x16xf32, #tpu.memory_space<vmem>>) target(%dma_start3A_60 : memref<128x16xf32, #tpu.memory_space<vmem_shared>>) target_semaphore(%run_scoped3A : memref<!tpu.dma_semaphore, #tpu.memory_space<semaphore_mem>>)
      %dma_wait3A = arith.constant 0 : i32
      %dma_wait3A_61 = tpu.memref_slice %arg13[%add3A_16, %dma_wait3A] : memref<10112x16xf32, #tpu.memory_space<vmem_shared>> -> memref<128x16xf32, #tpu.memory_space<vmem_shared>>
      %dma_wait3A_62 = arith.constant 0 : i32
      %dma_wait3A_63 = tpu.memref_slice %arg13[%add3A_16, %dma_wait3A_62] : memref<10112x16xf32, #tpu.memory_space<vmem_shared>> -> memref<128x16xf32, #tpu.memory_space<vmem_shared>>
      tpu.wait_dma2 semaphore(%run_scoped3A : memref<!tpu.dma_semaphore, #tpu.memory_space<semaphore_mem>>) src(%arg11 : memref<128x16xf32, #tpu.memory_space<vmem>>) dst(%dma_wait3A_63 : memref<128x16xf32, #tpu.memory_space<vmem_shared>>)
      tpu.yield
    }) : () -> ()
    %add3A_17 = arith.constant 256 : i32
    %add3A_18 = arith.addi %mul3A_2, %add3A_17 : i32
    "tpu.region"() ({
      %run_scoped3A = tpu.sem_alloc : memref<!tpu.dma_semaphore, #tpu.memory_space<semaphore_mem>>
      %dma_start3A_57 = arith.constant 0 : i32
      %dma_start3A_58 = tpu.memref_slice %arg12[%add3A_18, %dma_start3A_57] : memref<10112x64xf32, #tpu.memory_space<vmem_shared>> -> memref<128x64xf32, #tpu.memory_space<vmem_shared>>
      %dma_start3A_59 = arith.constant 0 : i32
      %dma_start3A_60 = tpu.memref_slice %arg12[%add3A_18, %dma_start3A_59] : memref<10112x64xf32, #tpu.memory_space<vmem_shared>> -> memref<128x64xf32, #tpu.memory_space<vmem_shared>>
      tpu.enqueue_dma source(%arg9 : memref<128x64xf32, #tpu.memory_space<vmem>>) target(%dma_start3A_60 : memref<128x64xf32, #tpu.memory_space<vmem_shared>>) target_semaphore(%run_scoped3A : memref<!tpu.dma_semaphore, #tpu.memory_space<semaphore_mem>>)
      %dma_wait3A = arith.constant 0 : i32
      %dma_wait3A_61 = tpu.memref_slice %arg12[%add3A_18, %dma_wait3A] : memref<10112x64xf32, #tpu.memory_space<vmem_shared>> -> memref<128x64xf32, #tpu.memory_space<vmem_shared>>
      %dma_wait3A_62 = arith.constant 0 : i32
      %dma_wait3A_63 = tpu.memref_slice %arg12[%add3A_18, %dma_wait3A_62] : memref<10112x64xf32, #tpu.memory_space<vmem_shared>> -> memref<128x64xf32, #tpu.memory_space<vmem_shared>>
      tpu.wait_dma2 semaphore(%run_scoped3A : memref<!tpu.dma_semaphore, #tpu.memory_space<semaphore_mem>>) src(%arg9 : memref<128x64xf32, #tpu.memory_space<vmem>>) dst(%dma_wait3A_63 : memref<128x64xf32, #tpu.memory_space<vmem_shared>>)
      tpu.yield
    }) : () -> ()
    %add3A_19 = arith.constant 256 : i32
    %add3A_20 = arith.addi %mul3A_2, %add3A_19 : i32
    "tpu.region"() ({
      %run_scoped3A = tpu.sem_alloc : memref<!tpu.dma_semaphore, #tpu.memory_space<semaphore_mem>>
      %dma_start3A_57 = arith.constant 0 : i32
      %dma_start3A_58 = tpu.memref_slice %arg13[%add3A_20, %dma_start3A_57] : memref<10112x16xf32, #tpu.memory_space<vmem_shared>> -> memref<128x16xf32, #tpu.memory_space<vmem_shared>>
      %dma_start3A_59 = arith.constant 0 : i32
      %dma_start3A_60 = tpu.memref_slice %arg13[%add3A_20, %dma_start3A_59] : memref<10112x16xf32, #tpu.memory_space<vmem_shared>> -> memref<128x16xf32, #tpu.memory_space<vmem_shared>>
      tpu.enqueue_dma source(%arg11 : memref<128x16xf32, #tpu.memory_space<vmem>>) target(%dma_start3A_60 : memref<128x16xf32, #tpu.memory_space<vmem_shared>>) target_semaphore(%run_scoped3A : memref<!tpu.dma_semaphore, #tpu.memory_space<semaphore_mem>>)
      %dma_wait3A = arith.constant 0 : i32
      %dma_wait3A_61 = tpu.memref_slice %arg13[%add3A_20, %dma_wait3A] : memref<10112x16xf32, #tpu.memory_space<vmem_shared>> -> memref<128x16xf32, #tpu.memory_space<vmem_shared>>
      %dma_wait3A_62 = arith.constant 0 : i32
      %dma_wait3A_63 = tpu.memref_slice %arg13[%add3A_20, %dma_wait3A_62] : memref<10112x16xf32, #tpu.memory_space<vmem_shared>> -> memref<128x16xf32, #tpu.memory_space<vmem_shared>>
      tpu.wait_dma2 semaphore(%run_scoped3A : memref<!tpu.dma_semaphore, #tpu.memory_space<semaphore_mem>>) src(%arg11 : memref<128x16xf32, #tpu.memory_space<vmem>>) dst(%dma_wait3A_63 : memref<128x16xf32, #tpu.memory_space<vmem_shared>>)
      tpu.yield
    }) : () -> ()
    %add3A_21 = arith.constant 384 : i32
    %add3A_22 = arith.addi %mul3A_2, %add3A_21 : i32
    "tpu.region"() ({
      %run_scoped3A = tpu.sem_alloc : memref<!tpu.dma_semaphore, #tpu.memory_space<semaphore_mem>>
      %dma_start3A_57 = arith.constant 0 : i32
      %dma_start3A_58 = tpu.memref_slice %arg12[%add3A_22, %dma_start3A_57] : memref<10112x64xf32, #tpu.memory_space<vmem_shared>> -> memref<128x64xf32, #tpu.memory_space<vmem_shared>>
      %dma_start3A_59 = arith.constant 0 : i32
      %dma_start3A_60 = tpu.memref_slice %arg12[%add3A_22, %dma_start3A_59] : memref<10112x64xf32, #tpu.memory_space<vmem_shared>> -> memref<128x64xf32, #tpu.memory_space<vmem_shared>>
      tpu.enqueue_dma source(%arg9 : memref<128x64xf32, #tpu.memory_space<vmem>>) target(%dma_start3A_60 : memref<128x64xf32, #tpu.memory_space<vmem_shared>>) target_semaphore(%run_scoped3A : memref<!tpu.dma_semaphore, #tpu.memory_space<semaphore_mem>>)
      %dma_wait3A = arith.constant 0 : i32
      %dma_wait3A_61 = tpu.memref_slice %arg12[%add3A_22, %dma_wait3A] : memref<10112x64xf32, #tpu.memory_space<vmem_shared>> -> memref<128x64xf32, #tpu.memory_space<vmem_shared>>
      %dma_wait3A_62 = arith.constant 0 : i32
      %dma_wait3A_63 = tpu.memref_slice %arg12[%add3A_22, %dma_wait3A_62] : memref<10112x64xf32, #tpu.memory_space<vmem_shared>> -> memref<128x64xf32, #tpu.memory_space<vmem_shared>>
      tpu.wait_dma2 semaphore(%run_scoped3A : memref<!tpu.dma_semaphore, #tpu.memory_space<semaphore_mem>>) src(%arg9 : memref<128x64xf32, #tpu.memory_space<vmem>>) dst(%dma_wait3A_63 : memref<128x64xf32, #tpu.memory_space<vmem_shared>>)
      tpu.yield
    }) : () -> ()
    %add3A_23 = arith.constant 384 : i32
    %add3A_24 = arith.addi %mul3A_2, %add3A_23 : i32
    "tpu.region"() ({
      %run_scoped3A = tpu.sem_alloc : memref<!tpu.dma_semaphore, #tpu.memory_space<semaphore_mem>>
      %dma_start3A_57 = arith.constant 0 : i32
      %dma_start3A_58 = tpu.memref_slice %arg13[%add3A_24, %dma_start3A_57] : memref<10112x16xf32, #tpu.memory_space<vmem_shared>> -> memref<128x16xf32, #tpu.memory_space<vmem_shared>>
      %dma_start3A_59 = arith.constant 0 : i32
      %dma_start3A_60 = tpu.memref_slice %arg13[%add3A_24, %dma_start3A_59] : memref<10112x16xf32, #tpu.memory_space<vmem_shared>> -> memref<128x16xf32, #tpu.memory_space<vmem_shared>>
      tpu.enqueue_dma source(%arg11 : memref<128x16xf32, #tpu.memory_space<vmem>>) target(%dma_start3A_60 : memref<128x16xf32, #tpu.memory_space<vmem_shared>>) target_semaphore(%run_scoped3A : memref<!tpu.dma_semaphore, #tpu.memory_space<semaphore_mem>>)
      %dma_wait3A = arith.constant 0 : i32
      %dma_wait3A_61 = tpu.memref_slice %arg13[%add3A_24, %dma_wait3A] : memref<10112x16xf32, #tpu.memory_space<vmem_shared>> -> memref<128x16xf32, #tpu.memory_space<vmem_shared>>
      %dma_wait3A_62 = arith.constant 0 : i32
      %dma_wait3A_63 = tpu.memref_slice %arg13[%add3A_24, %dma_wait3A_62] : memref<10112x16xf32, #tpu.memory_space<vmem_shared>> -> memref<128x16xf32, #tpu.memory_space<vmem_shared>>
      tpu.wait_dma2 semaphore(%run_scoped3A : memref<!tpu.dma_semaphore, #tpu.memory_space<semaphore_mem>>) src(%arg11 : memref<128x16xf32, #tpu.memory_space<vmem>>) dst(%dma_wait3A_63 : memref<128x16xf32, #tpu.memory_space<vmem_shared>>)
      tpu.yield
    }) : () -> ()
    %add3A_25 = arith.constant 512 : i32
    %add3A_26 = arith.addi %mul3A_2, %add3A_25 : i32
    "tpu.region"() ({
      %run_scoped3A = tpu.sem_alloc : memref<!tpu.dma_semaphore, #tpu.memory_space<semaphore_mem>>
      %dma_start3A_57 = arith.constant 0 : i32
      %dma_start3A_58 = arith.constant 0 : i32
      %dma_start3A_59 = tpu.memref_slice %arg9[%dma_start3A_57, %dma_start3A_58] : memref<128x64xf32, #tpu.memory_space<vmem>> -> memref<120x64xf32, #tpu.memory_space<vmem>>
      %dma_start3A_60 = arith.constant 0 : i32
      %dma_start3A_61 = tpu.memref_slice %arg12[%add3A_26, %dma_start3A_60] : memref<10112x64xf32, #tpu.memory_space<vmem_shared>> -> memref<120x64xf32, #tpu.memory_space<vmem_shared>>
      %dma_start3A_62 = arith.constant 0 : i32
      %dma_start3A_63 = tpu.memref_slice %arg12[%add3A_26, %dma_start3A_62] : memref<10112x64xf32, #tpu.memory_space<vmem_shared>> -> memref<120x64xf32, #tpu.memory_space<vmem_shared>>
      %dma_start3A_64 = arith.constant 0 : i32
      %dma_start3A_65 = arith.constant 0 : i32
      %dma_start3A_66 = tpu.memref_slice %arg9[%dma_start3A_64, %dma_start3A_65] : memref<128x64xf32, #tpu.memory_space<vmem>> -> memref<120x64xf32, #tpu.memory_space<vmem>>
      tpu.enqueue_dma source(%dma_start3A_66 : memref<120x64xf32, #tpu.memory_space<vmem>>) target(%dma_start3A_63 : memref<120x64xf32, #tpu.memory_space<vmem_shared>>) target_semaphore(%run_scoped3A : memref<!tpu.dma_semaphore, #tpu.memory_space<semaphore_mem>>)
      %dma_wait3A = arith.constant 0 : i32
      %dma_wait3A_67 = arith.constant 0 : i32
      %dma_wait3A_68 = tpu.memref_slice %arg9[%dma_wait3A, %dma_wait3A_67] : memref<128x64xf32, #tpu.memory_space<vmem>> -> memref<120x64xf32, #tpu.memory_space<vmem>>
      %dma_wait3A_69 = arith.constant 0 : i32
      %dma_wait3A_70 = tpu.memref_slice %arg12[%add3A_26, %dma_wait3A_69] : memref<10112x64xf32, #tpu.memory_space<vmem_shared>> -> memref<120x64xf32, #tpu.memory_space<vmem_shared>>
      %dma_wait3A_71 = arith.constant 0 : i32
      %dma_wait3A_72 = tpu.memref_slice %arg12[%add3A_26, %dma_wait3A_71] : memref<10112x64xf32, #tpu.memory_space<vmem_shared>> -> memref<120x64xf32, #tpu.memory_space<vmem_shared>>
      %dma_wait3A_73 = arith.constant 0 : i32
      %dma_wait3A_74 = arith.constant 0 : i32
      %dma_wait3A_75 = tpu.memref_slice %arg9[%dma_wait3A_73, %dma_wait3A_74] : memref<128x64xf32, #tpu.memory_space<vmem>> -> memref<120x64xf32, #tpu.memory_space<vmem>>
      tpu.wait_dma2 semaphore(%run_scoped3A : memref<!tpu.dma_semaphore, #tpu.memory_space<semaphore_mem>>) src(%dma_wait3A_75 : memref<120x64xf32, #tpu.memory_space<vmem>>) dst(%dma_wait3A_72 : memref<120x64xf32, #tpu.memory_space<vmem_shared>>)
      tpu.yield
    }) : () -> ()
    %add3A_27 = arith.constant 512 : i32
    %add3A_28 = arith.addi %mul3A_2, %add3A_27 : i32
    "tpu.region"() ({
      %run_scoped3A = tpu.sem_alloc : memref<!tpu.dma_semaphore, #tpu.memory_space<semaphore_mem>>
      %dma_start3A_57 = arith.constant 0 : i32
      %dma_start3A_58 = arith.constant 0 : i32
      %dma_start3A_59 = tpu.memref_slice %arg11[%dma_start3A_57, %dma_start3A_58] : memref<128x16xf32, #tpu.memory_space<vmem>> -> memref<120x16xf32, #tpu.memory_space<vmem>>
      %dma_start3A_60 = arith.constant 0 : i32
      %dma_start3A_61 = tpu.memref_slice %arg13[%add3A_28, %dma_start3A_60] : memref<10112x16xf32, #tpu.memory_space<vmem_shared>> -> memref<120x16xf32, #tpu.memory_space<vmem_shared>>
      %dma_start3A_62 = arith.constant 0 : i32
      %dma_start3A_63 = tpu.memref_slice %arg13[%add3A_28, %dma_start3A_62] : memref<10112x16xf32, #tpu.memory_space<vmem_shared>> -> memref<120x16xf32, #tpu.memory_space<vmem_shared>>
      %dma_start3A_64 = arith.constant 0 : i32
      %dma_start3A_65 = arith.constant 0 : i32
      %dma_start3A_66 = tpu.memref_slice %arg11[%dma_start3A_64, %dma_start3A_65] : memref<128x16xf32, #tpu.memory_space<vmem>> -> memref<120x16xf32, #tpu.memory_space<vmem>>
      tpu.enqueue_dma source(%dma_start3A_66 : memref<120x16xf32, #tpu.memory_space<vmem>>) target(%dma_start3A_63 : memref<120x16xf32, #tpu.memory_space<vmem_shared>>) target_semaphore(%run_scoped3A : memref<!tpu.dma_semaphore, #tpu.memory_space<semaphore_mem>>)
      %dma_wait3A = arith.constant 0 : i32
      %dma_wait3A_67 = arith.constant 0 : i32
      %dma_wait3A_68 = tpu.memref_slice %arg11[%dma_wait3A, %dma_wait3A_67] : memref<128x16xf32, #tpu.memory_space<vmem>> -> memref<120x16xf32, #tpu.memory_space<vmem>>
      %dma_wait3A_69 = arith.constant 0 : i32
      %dma_wait3A_70 = tpu.memref_slice %arg13[%add3A_28, %dma_wait3A_69] : memref<10112x16xf32, #tpu.memory_space<vmem_shared>> -> memref<120x16xf32, #tpu.memory_space<vmem_shared>>
      %dma_wait3A_71 = arith.constant 0 : i32
      %dma_wait3A_72 = tpu.memref_slice %arg13[%add3A_28, %dma_wait3A_71] : memref<10112x16xf32, #tpu.memory_space<vmem_shared>> -> memref<120x16xf32, #tpu.memory_space<vmem_shared>>
      %dma_wait3A_73 = arith.constant 0 : i32
      %dma_wait3A_74 = arith.constant 0 : i32
      %dma_wait3A_75 = tpu.memref_slice %arg11[%dma_wait3A_73, %dma_wait3A_74] : memref<128x16xf32, #tpu.memory_space<vmem>> -> memref<120x16xf32, #tpu.memory_space<vmem>>
      tpu.wait_dma2 semaphore(%run_scoped3A : memref<!tpu.dma_semaphore, #tpu.memory_space<semaphore_mem>>) src(%dma_wait3A_75 : memref<120x16xf32, #tpu.memory_space<vmem>>) dst(%dma_wait3A_72 : memref<120x16xf32, #tpu.memory_space<vmem_shared>>)
      tpu.yield
    }) : () -> ()
    %broadcast_in_dim3A_29 = arith.constant 1.000000e+00 : f32
    %broadcast_in_dim3A_30 = vector.broadcast %broadcast_in_dim3A_29 : f32 to vector<16xf32>
    %scan3A_31 = arith.constant 0 : i32
    %scan3A_32 = arith.constant 0 : i32
    %scan3A_33 = arith.constant 128 : i32
    %scan3A_34 = arith.addi %scan3A_32, %scan3A_33 : i32
    %scan3A_35 = arith.constant 1 : i32
    scf.for %scan3A_57 = %scan3A_32 to %scan3A_34 step %scan3A_35  : i32 {
      %swap3A = arith.index_cast %scan3A_57 : i32 to index
      %swap3A_58 = arith.constant 0 : index
      %swap3A_59 = tpu.vector_load %arg11[%swap3A, %swap3A_58] {strides = array<i32>} : memref<128x16xf32, #tpu.memory_space<vmem>>, vector<1x16xf32>,
      %swap3A_60 = vector.shape_cast %swap3A_59 : vector<1x16xf32> to vector<16xf32>
      %swap3A_61 = vector.shape_cast %broadcast_in_dim3A_30 : vector<16xf32> to vector<1x16xf32>
      tpu.vector_store %arg11[%swap3A, %swap3A_58], %swap3A_61 {strides = array<i32>} : memref<128x16xf32, #tpu.memory_space<vmem>>, vector<1x16xf32>,
    }
    %scan3A_36 = arith.constant 128 : i32
    %barrier3A = arith.constant 0 : index
    tpu.barrier barrier_id(%barrier3A)
    %dma_start3A = arith.constant 0 : i32
    %dma_start3A_37 = arith.constant 0 : i32
    %dma_start3A_38 = tpu.memref_slice %arg7[%dma_start3A, %dma_start3A_37] : memref<158x128xi32, #tpu.memory_space<vmem>> -> memref<1x128xi32, #tpu.memory_space<vmem>>
    %dma_start3A_39 = tpu.memref_squeeze %dma_start3A_38 : memref<1x128xi32, #tpu.memory_space<vmem>> -> memref<128xi32, #tpu.memory_space<vmem>>
    %dma_start3A_40 = arith.constant 0 : i32
    %dma_start3A_41 = arith.constant 0 : i32
    %dma_start3A_42 = tpu.memref_slice %arg2[%dma_start3A_40, %dma_start3A_41] : memref<20000x64xf32, #tpu.memory_space<hbm>> -> memref<20000x64xf32, #tpu.memory_space<hbm>>
    tpu.enqueue_indirect_dma source(%dma_start3A_42 : memref<20000x64xf32, #tpu.memory_space<hbm>>) target(%arg9 : memref<128x64xf32, #tpu.memory_space<vmem>>) offsets(%dma_start3A_39 : memref<128xi32, #tpu.memory_space<vmem>>) semaphore(%arg14 : memref<!tpu.dma_semaphore, #tpu.memory_space<semaphore_mem>>)
    %scan3A_43 = arith.constant 0 : i32
    %scan3A_44 = arith.constant 0 : i32
    %scan3A_45 = arith.constant 79 : i32
    %scan3A_46 = arith.addi %scan3A_44, %scan3A_45 : i32
    %scan3A_47 = arith.constant 1 : i32
    scf.for %scan3A_57 = %scan3A_44 to %scan3A_46 step %scan3A_47  : i32 {
      %mul3A_58 = arith.constant 2 : i32
      %mul3A_59 = arith.muli %mul3A_58, %scan3A_57 : i32
      %add3A_60 = arith.constant 1 : i32
      %add3A_61 = arith.addi %mul3A_59, %add3A_60 : i32
      %dma_start3A_62 = arith.constant 0 : i32
      %dma_start3A_63 = tpu.memref_slice %arg7[%add3A_61, %dma_start3A_62] : memref<158x128xi32, #tpu.memory_space<vmem>> -> memref<1x128xi32, #tpu.memory_space<vmem>>
      %dma_start3A_64 = tpu.memref_squeeze %dma_start3A_63 : memref<1x128xi32, #tpu.memory_space<vmem>> -> memref<128xi32, #tpu.memory_space<vmem>>
      %dma_start3A_65 = arith.constant 0 : i32
      %dma_start3A_66 = arith.constant 0 : i32
      %dma_start3A_67 = tpu.memref_slice %arg2[%dma_start3A_65, %dma_start3A_66] : memref<20000x64xf32, #tpu.memory_space<hbm>> -> memref<20000x64xf32, #tpu.memory_space<hbm>>
      tpu.enqueue_indirect_dma source(%dma_start3A_67 : memref<20000x64xf32, #tpu.memory_space<hbm>>) target(%arg10 : memref<128x64xf32, #tpu.memory_space<vmem>>) offsets(%dma_start3A_64 : memref<128xi32, #tpu.memory_space<vmem>>) semaphore(%arg15 : memref<!tpu.dma_semaphore, #tpu.memory_space<semaphore_mem>>)
      %dma_wait3A = arith.constant 0 : i32
      %dma_wait3A_68 = tpu.memref_slice %arg7[%mul3A_59, %dma_wait3A] : memref<158x128xi32, #tpu.memory_space<vmem>> -> memref<1x128xi32, #tpu.memory_space<vmem>>
      %dma_wait3A_69 = tpu.memref_squeeze %dma_wait3A_68 : memref<1x128xi32, #tpu.memory_space<vmem>> -> memref<128xi32, #tpu.memory_space<vmem>>
      %dma_wait3A_70 = arith.constant 0 : i32
      %dma_wait3A_71 = arith.constant 0 : i32
      %dma_wait3A_72 = tpu.memref_slice %arg2[%dma_wait3A_70, %dma_wait3A_71] : memref<20000x64xf32, #tpu.memory_space<hbm>> -> memref<20000x64xf32, #tpu.memory_space<hbm>>
      tpu.wait_indirect_dma semaphore(%arg14 : memref<!tpu.dma_semaphore, #tpu.memory_space<semaphore_mem>>) src(%dma_wait3A_72 : memref<20000x64xf32, #tpu.memory_space<hbm>>) dst(%arg9 : memref<128x64xf32, #tpu.memory_space<vmem>>)
      "tpu.region"() ({
        %run_scoped3A = tpu.sem_alloc : memref<!tpu.dma_semaphore, #tpu.memory_space<semaphore_mem>>
        %dma_start3A_99 = arith.constant 0 : i32
        %dma_start3A_100 = tpu.memref_slice %arg8[%mul3A_59, %dma_start3A_99] : memref<158x128xi32, #tpu.memory_space<vmem>> -> memref<1x128xi32, #tpu.memory_space<vmem>>
        %dma_start3A_101 = tpu.memref_squeeze %dma_start3A_100 : memref<1x128xi32, #tpu.memory_space<vmem>> -> memref<128xi32, #tpu.memory_space<vmem>>
        %dma_start3A_102 = arith.constant 0 : i32
        %dma_start3A_103 = arith.constant 0 : i32
        %dma_start3A_104 = tpu.memref_slice %arg12[%dma_start3A_102, %dma_start3A_103] : memref<10112x64xf32, #tpu.memory_space<vmem_shared>> -> memref<10112x64xf32, #tpu.memory_space<vmem_shared>>
        tpu.enqueue_indirect_dma source(%arg9 : memref<128x64xf32, #tpu.memory_space<vmem>>) target(%dma_start3A_104 : memref<10112x64xf32, #tpu.memory_space<vmem_shared>>) offsets(%dma_start3A_101 : memref<128xi32, #tpu.memory_space<vmem>>) semaphore(%run_scoped3A : memref<!tpu.dma_semaphore, #tpu.memory_space<semaphore_mem>>) {add = true}
        %dma_wait3A_105 = arith.constant 0 : i32
        %dma_wait3A_106 = tpu.memref_slice %arg8[%mul3A_59, %dma_wait3A_105] : memref<158x128xi32, #tpu.memory_space<vmem>> -> memref<1x128xi32, #tpu.memory_space<vmem>>
        %dma_wait3A_107 = tpu.memref_squeeze %dma_wait3A_106 : memref<1x128xi32, #tpu.memory_space<vmem>> -> memref<128xi32, #tpu.memory_space<vmem>>
        %dma_wait3A_108 = arith.constant 0 : i32
        %dma_wait3A_109 = arith.constant 0 : i32
        %dma_wait3A_110 = tpu.memref_slice %arg12[%dma_wait3A_108, %dma_wait3A_109] : memref<10112x64xf32, #tpu.memory_space<vmem_shared>> -> memref<10112x64xf32, #tpu.memory_space<vmem_shared>>
        tpu.wait_indirect_dma semaphore(%run_scoped3A : memref<!tpu.dma_semaphore, #tpu.memory_space<semaphore_mem>>) src(%arg9 : memref<128x64xf32, #tpu.memory_space<vmem>>) dst(%dma_wait3A_110 : memref<10112x64xf32, #tpu.memory_space<vmem_shared>>)
        tpu.yield
      }) : () -> ()
      %eq3A_73 = arith.constant 0 : i32
      %eq3A_74 = arith.cmpi eq, %arg0, %eq3A_73 : i32
      %convert_element_type3A_75 = arith.extui %eq3A_74 : i1 to i32
      %cond3A_76 = arith.constant 0 : i32
      %cond3A_77 = arith.cmpi ne, %convert_element_type3A_75, %cond3A_76 : i32
      scf.if %cond3A_77 {
        "tpu.region"() ({
          %run_scoped3A = tpu.sem_alloc : memref<!tpu.dma_semaphore, #tpu.memory_space<semaphore_mem>>
          %dma_start3A_99 = arith.constant 0 : i32
          %dma_start3A_100 = tpu.memref_slice %arg8[%mul3A_59, %dma_start3A_99] : memref<158x128xi32, #tpu.memory_space<vmem>> -> memref<1x128xi32, #tpu.memory_space<vmem>>
          %dma_start3A_101 = tpu.memref_squeeze %dma_start3A_100 : memref<1x128xi32, #tpu.memory_space<vmem>> -> memref<128xi32, #tpu.memory_space<vmem>>
          %dma_start3A_102 = arith.constant 0 : i32
          %dma_start3A_103 = arith.constant 0 : i32
          %dma_start3A_104 = tpu.memref_slice %arg13[%dma_start3A_102, %dma_start3A_103] : memref<10112x16xf32, #tpu.memory_space<vmem_shared>> -> memref<10112x16xf32, #tpu.memory_space<vmem_shared>>
          tpu.enqueue_indirect_dma source(%arg11 : memref<128x16xf32, #tpu.memory_space<vmem>>) target(%dma_start3A_104 : memref<10112x16xf32, #tpu.memory_space<vmem_shared>>) offsets(%dma_start3A_101 : memref<128xi32, #tpu.memory_space<vmem>>) semaphore(%run_scoped3A : memref<!tpu.dma_semaphore, #tpu.memory_space<semaphore_mem>>) {add = true}
          %dma_wait3A_105 = arith.constant 0 : i32
          %dma_wait3A_106 = tpu.memref_slice %arg8[%mul3A_59, %dma_wait3A_105] : memref<158x128xi32, #tpu.memory_space<vmem>> -> memref<1x128xi32, #tpu.memory_space<vmem>>
          %dma_wait3A_107 = tpu.memref_squeeze %dma_wait3A_106 : memref<1x128xi32, #tpu.memory_space<vmem>> -> memref<128xi32, #tpu.memory_space<vmem>>
          %dma_wait3A_108 = arith.constant 0 : i32
          %dma_wait3A_109 = arith.constant 0 : i32
          %dma_wait3A_110 = tpu.memref_slice %arg13[%dma_wait3A_108, %dma_wait3A_109] : memref<10112x16xf32, #tpu.memory_space<vmem_shared>> -> memref<10112x16xf32, #tpu.memory_space<vmem_shared>>
          tpu.wait_indirect_dma semaphore(%run_scoped3A : memref<!tpu.dma_semaphore, #tpu.memory_space<semaphore_mem>>) src(%arg11 : memref<128x16xf32, #tpu.memory_space<vmem>>) dst(%dma_wait3A_110 : memref<10112x16xf32, #tpu.memory_space<vmem_shared>>)
          tpu.yield
        }) : () -> ()
      } else {
      }
      %add3A_78 = arith.constant 2 : i32
      %add3A_79 = arith.addi %mul3A_59, %add3A_78 : i32
      %lt3A = arith.constant 158 : i32
      %lt3A_80 = arith.cmpi slt, %add3A_79, %lt3A : i32
      %convert_element_type3A_81 = arith.extui %lt3A_80 : i1 to i32
      %cond3A_82 = arith.constant 0 : i32
      %cond3A_83 = arith.cmpi ne, %convert_element_type3A_81, %cond3A_82 : i32
      scf.if %cond3A_83 {
        %add3A_99 = arith.constant 2 : i32
        %add3A_100 = arith.addi %mul3A_59, %add3A_99 : i32
        %dma_start3A_101 = arith.constant 0 : i32
        %dma_start3A_102 = tpu.memref_slice %arg7[%add3A_100, %dma_start3A_101] : memref<158x128xi32, #tpu.memory_space<vmem>> -> memref<1x128xi32, #tpu.memory_space<vmem>>
        %dma_start3A_103 = tpu.memref_squeeze %dma_start3A_102 : memref<1x128xi32, #tpu.memory_space<vmem>> -> memref<128xi32, #tpu.memory_space<vmem>>
        %dma_start3A_104 = arith.constant 0 : i32
        %dma_start3A_105 = arith.constant 0 : i32
        %dma_start3A_106 = tpu.memref_slice %arg2[%dma_start3A_104, %dma_start3A_105] : memref<20000x64xf32, #tpu.memory_space<hbm>> -> memref<20000x64xf32, #tpu.memory_space<hbm>>
        tpu.enqueue_indirect_dma source(%dma_start3A_106 : memref<20000x64xf32, #tpu.memory_space<hbm>>) target(%arg9 : memref<128x64xf32, #tpu.memory_space<vmem>>) offsets(%dma_start3A_103 : memref<128xi32, #tpu.memory_space<vmem>>) semaphore(%arg14 : memref<!tpu.dma_semaphore, #tpu.memory_space<semaphore_mem>>)
      } else {
      }
      %add3A_84 = arith.constant 1 : i32
      %add3A_85 = arith.addi %mul3A_59, %add3A_84 : i32
      %dma_wait3A_86 = arith.constant 0 : i32
      %dma_wait3A_87 = tpu.memref_slice %arg7[%add3A_85, %dma_wait3A_86] : memref<158x128xi32, #tpu.memory_space<vmem>> -> memref<1x128xi32, #tpu.memory_space<vmem>>
      %dma_wait3A_88 = tpu.memref_squeeze %dma_wait3A_87 : memref<1x128xi32, #tpu.memory_space<vmem>> -> memref<128xi32, #tpu.memory_space<vmem>>
      %dma_wait3A_89 = arith.constant 0 : i32
      %dma_wait3A_90 = arith.constant 0 : i32
      %dma_wait3A_91 = tpu.memref_slice %arg2[%dma_wait3A_89, %dma_wait3A_90] : memref<20000x64xf32, #tpu.memory_space<hbm>> -> memref<20000x64xf32, #tpu.memory_space<hbm>>
      tpu.wait_indirect_dma semaphore(%arg15 : memref<!tpu.dma_semaphore, #tpu.memory_space<semaphore_mem>>) src(%dma_wait3A_91 : memref<20000x64xf32, #tpu.memory_space<hbm>>) dst(%arg10 : memref<128x64xf32, #tpu.memory_space<vmem>>)
      %add3A_92 = arith.constant 1 : i32
      %add3A_93 = arith.addi %mul3A_59, %add3A_92 : i32
      "tpu.region"() ({
        %run_scoped3A = tpu.sem_alloc : memref<!tpu.dma_semaphore, #tpu.memory_space<semaphore_mem>>
        %dma_start3A_99 = arith.constant 0 : i32
        %dma_start3A_100 = tpu.memref_slice %arg8[%add3A_93, %dma_start3A_99] : memref<158x128xi32, #tpu.memory_space<vmem>> -> memref<1x128xi32, #tpu.memory_space<vmem>>
        %dma_start3A_101 = tpu.memref_squeeze %dma_start3A_100 : memref<1x128xi32, #tpu.memory_space<vmem>> -> memref<128xi32, #tpu.memory_space<vmem>>
        %dma_start3A_102 = arith.constant 0 : i32
        %dma_start3A_103 = arith.constant 0 : i32
        %dma_start3A_104 = tpu.memref_slice %arg12[%dma_start3A_102, %dma_start3A_103] : memref<10112x64xf32, #tpu.memory_space<vmem_shared>> -> memref<10112x64xf32, #tpu.memory_space<vmem_shared>>
        tpu.enqueue_indirect_dma source(%arg10 : memref<128x64xf32, #tpu.memory_space<vmem>>) target(%dma_start3A_104 : memref<10112x64xf32, #tpu.memory_space<vmem_shared>>) offsets(%dma_start3A_101 : memref<128xi32, #tpu.memory_space<vmem>>) semaphore(%run_scoped3A : memref<!tpu.dma_semaphore, #tpu.memory_space<semaphore_mem>>) {add = true}
        %dma_wait3A_105 = arith.constant 0 : i32
        %dma_wait3A_106 = tpu.memref_slice %arg8[%add3A_93, %dma_wait3A_105] : memref<158x128xi32, #tpu.memory_space<vmem>> -> memref<1x128xi32, #tpu.memory_space<vmem>>
        %dma_wait3A_107 = tpu.memref_squeeze %dma_wait3A_106 : memref<1x128xi32, #tpu.memory_space<vmem>> -> memref<128xi32, #tpu.memory_space<vmem>>
        %dma_wait3A_108 = arith.constant 0 : i32
        %dma_wait3A_109 = arith.constant 0 : i32
        %dma_wait3A_110 = tpu.memref_slice %arg12[%dma_wait3A_108, %dma_wait3A_109] : memref<10112x64xf32, #tpu.memory_space<vmem_shared>> -> memref<10112x64xf32, #tpu.memory_space<vmem_shared>>
        tpu.wait_indirect_dma semaphore(%run_scoped3A : memref<!tpu.dma_semaphore, #tpu.memory_space<semaphore_mem>>) src(%arg10 : memref<128x64xf32, #tpu.memory_space<vmem>>) dst(%dma_wait3A_110 : memref<10112x64xf32, #tpu.memory_space<vmem_shared>>)
        tpu.yield
      }) : () -> ()
      %eq3A_94 = arith.constant 1 : i32
      %eq3A_95 = arith.cmpi eq, %arg0, %eq3A_94 : i32
      %convert_element_type3A_96 = arith.extui %eq3A_95 : i1 to i32
      %cond3A_97 = arith.constant 0 : i32
      %cond3A_98 = arith.cmpi ne, %convert_element_type3A_96, %cond3A_97 : i32
      scf.if %cond3A_98 {
        %add3A_99 = arith.constant 1 : i32
        %add3A_100 = arith.addi %mul3A_59, %add3A_99 : i32
        "tpu.region"() ({
          %run_scoped3A = tpu.sem_alloc : memref<!tpu.dma_semaphore, #tpu.memory_space<semaphore_mem>>
          %dma_start3A_101 = arith.constant 0 : i32
          %dma_start3A_102 = tpu.memref_slice %arg8[%add3A_100, %dma_start3A_101] : memref<158x128xi32, #tpu.memory_space<vmem>> -> memref<1x128xi32, #tpu.memory_space<vmem>>
          %dma_start3A_103 = tpu.memref_squeeze %dma_start3A_102 : memref<1x128xi32, #tpu.memory_space<vmem>> -> memref<128xi32, #tpu.memory_space<vmem>>
          %dma_start3A_104 = arith.constant 0 : i32
          %dma_start3A_105 = arith.constant 0 : i32
          %dma_start3A_106 = tpu.memref_slice %arg13[%dma_start3A_104, %dma_start3A_105] : memref<10112x16xf32, #tpu.memory_space<vmem_shared>> -> memref<10112x16xf32, #tpu.memory_space<vmem_shared>>
          tpu.enqueue_indirect_dma source(%arg11 : memref<128x16xf32, #tpu.memory_space<vmem>>) target(%dma_start3A_106 : memref<10112x16xf32, #tpu.memory_space<vmem_shared>>) offsets(%dma_start3A_103 : memref<128xi32, #tpu.memory_space<vmem>>) semaphore(%run_scoped3A : memref<!tpu.dma_semaphore, #tpu.memory_space<semaphore_mem>>) {add = true}
          %dma_wait3A_107 = arith.constant 0 : i32
          %dma_wait3A_108 = tpu.memref_slice %arg8[%add3A_100, %dma_wait3A_107] : memref<158x128xi32, #tpu.memory_space<vmem>> -> memref<1x128xi32, #tpu.memory_space<vmem>>
          %dma_wait3A_109 = tpu.memref_squeeze %dma_wait3A_108 : memref<1x128xi32, #tpu.memory_space<vmem>> -> memref<128xi32, #tpu.memory_space<vmem>>
          %dma_wait3A_110 = arith.constant 0 : i32
          %dma_wait3A_111 = arith.constant 0 : i32
          %dma_wait3A_112 = tpu.memref_slice %arg13[%dma_wait3A_110, %dma_wait3A_111] : memref<10112x16xf32, #tpu.memory_space<vmem_shared>> -> memref<10112x16xf32, #tpu.memory_space<vmem_shared>>
          tpu.wait_indirect_dma semaphore(%run_scoped3A : memref<!tpu.dma_semaphore, #tpu.memory_space<semaphore_mem>>) src(%arg11 : memref<128x16xf32, #tpu.memory_space<vmem>>) dst(%dma_wait3A_112 : memref<10112x16xf32, #tpu.memory_space<vmem_shared>>)
          tpu.yield
        }) : () -> ()
      } else {
      }
    }
    %scan3A_48 = arith.constant 79 : i32
    %barrier3A_49 = arith.constant 0 : index
    tpu.barrier barrier_id(%barrier3A_49)
    %eq3A = arith.constant 0 : i32
    %eq3A_50 = arith.cmpi eq, %arg0, %eq3A : i32
    %convert_element_type3A = arith.extui %eq3A_50 : i1 to i32
    %cond3A = arith.constant 0 : i32
    %cond3A_51 = arith.cmpi ne, %convert_element_type3A, %cond3A : i32
    scf.if %cond3A_51 {
      "tpu.region"() ({
        %run_scoped3A = tpu.sem_alloc : memref<!tpu.dma_semaphore, #tpu.memory_space<semaphore_mem>>
        %dma_start3A_57 = arith.constant 0 : i32
        %dma_start3A_58 = tpu.memref_slice %arg5[%mul3A_2, %dma_start3A_57] : memref<10112x128xf32, #tpu.memory_space<hbm>> -> memref<632x64xf32, #tpu.memory_space<hbm>>
        %dma_start3A_59 = arith.constant 0 : i32
        %dma_start3A_60 = tpu.memref_slice %arg12[%mul3A_2, %dma_start3A_59] : memref<10112x64xf32, #tpu.memory_space<vmem_shared>> -> memref<632x64xf32, #tpu.memory_space<vmem_shared>>
        tpu.enqueue_dma source(%dma_start3A_60 : memref<632x64xf32, #tpu.memory_space<vmem_shared>>) target(%dma_start3A_58 : memref<632x64xf32, #tpu.memory_space<hbm>>) target_semaphore(%run_scoped3A : memref<!tpu.dma_semaphore, #tpu.memory_space<semaphore_mem>>)
        %dma_wait3A = arith.constant 0 : i32
        %dma_wait3A_61 = tpu.memref_slice %arg5[%mul3A_2, %dma_wait3A] : memref<10112x128xf32, #tpu.memory_space<hbm>> -> memref<632x64xf32, #tpu.memory_space<hbm>>
        %dma_wait3A_62 = arith.constant 0 : i32
        %dma_wait3A_63 = tpu.memref_slice %arg12[%mul3A_2, %dma_wait3A_62] : memref<10112x64xf32, #tpu.memory_space<vmem_shared>> -> memref<632x64xf32, #tpu.memory_space<vmem_shared>>
        tpu.wait_dma2 semaphore(%run_scoped3A : memref<!tpu.dma_semaphore, #tpu.memory_space<semaphore_mem>>) src(%dma_wait3A_63 : memref<632x64xf32, #tpu.memory_space<vmem_shared>>) dst(%dma_wait3A_61 : memref<632x64xf32, #tpu.memory_space<hbm>>)
        tpu.yield
      }) : () -> ()
    } else {
    }
    %eq3A_52 = arith.constant 1 : i32
    %eq3A_53 = arith.cmpi eq, %arg0, %eq3A_52 : i32
    %convert_element_type3A_54 = arith.extui %eq3A_53 : i1 to i32
    %cond3A_55 = arith.constant 0 : i32
    %cond3A_56 = arith.cmpi ne, %convert_element_type3A_54, %cond3A_55 : i32
    scf.if %cond3A_56 {
      "tpu.region"() ({
        %run_scoped3A = tpu.sem_alloc : memref<!tpu.dma_semaphore, #tpu.memory_space<semaphore_mem>>
        %dma_start3A_57 = arith.constant 64 : i32
        %dma_start3A_58 = tpu.memref_slice %arg5[%mul3A_2, %dma_start3A_57] : memref<10112x128xf32, #tpu.memory_space<hbm>> -> memref<632x64xf32, #tpu.memory_space<hbm>>
        %dma_start3A_59 = arith.constant 0 : i32
        %dma_start3A_60 = tpu.memref_slice %arg12[%mul3A_2, %dma_start3A_59] : memref<10112x64xf32, #tpu.memory_space<vmem_shared>> -> memref<632x64xf32, #tpu.memory_space<vmem_shared>>
        tpu.enqueue_dma source(%dma_start3A_60 : memref<632x64xf32, #tpu.memory_space<vmem_shared>>) target(%dma_start3A_58 : memref<632x64xf32, #tpu.memory_space<hbm>>) target_semaphore(%run_scoped3A : memref<!tpu.dma_semaphore, #tpu.memory_space<semaphore_mem>>)
        %dma_wait3A = arith.constant 64 : i32
        %dma_wait3A_61 = tpu.memref_slice %arg5[%mul3A_2, %dma_wait3A] : memref<10112x128xf32, #tpu.memory_space<hbm>> -> memref<632x64xf32, #tpu.memory_space<hbm>>
        %dma_wait3A_62 = arith.constant 0 : i32
        %dma_wait3A_63 = tpu.memref_slice %arg12[%mul3A_2, %dma_wait3A_62] : memref<10112x64xf32, #tpu.memory_space<vmem_shared>> -> memref<632x64xf32, #tpu.memory_space<vmem_shared>>
        tpu.wait_dma2 semaphore(%run_scoped3A : memref<!tpu.dma_semaphore, #tpu.memory_space<semaphore_mem>>) src(%dma_wait3A_63 : memref<632x64xf32, #tpu.memory_space<vmem_shared>>) dst(%dma_wait3A_61 : memref<632x64xf32, #tpu.memory_space<hbm>>)
        tpu.yield
      }) : () -> ()
    } else {
    }
    "tpu.region"() ({
      %run_scoped3A = tpu.sem_alloc : memref<!tpu.dma_semaphore, #tpu.memory_space<semaphore_mem>>
      %dma_start3A_57 = arith.constant 0 : i32
      %dma_start3A_58 = tpu.memref_slice %arg6[%arg0, %mul3A_2, %dma_start3A_57] : memref<2x10112x16xf32, #tpu.memory_space<hbm>> -> memref<1x632x16xf32, #tpu.memory_space<hbm>>
      %dma_start3A_59 = tpu.memref_squeeze %dma_start3A_58 : memref<1x632x16xf32, #tpu.memory_space<hbm>> -> memref<632x16xf32, #tpu.memory_space<hbm>>
      %dma_start3A_60 = arith.constant 0 : i32
      %dma_start3A_61 = tpu.memref_slice %arg13[%mul3A_2, %dma_start3A_60] : memref<10112x16xf32, #tpu.memory_space<vmem_shared>> -> memref<632x16xf32, #tpu.memory_space<vmem_shared>>
      tpu.enqueue_dma source(%dma_start3A_61 : memref<632x16xf32, #tpu.memory_space<vmem_shared>>) target(%dma_start3A_59 : memref<632x16xf32, #tpu.memory_space<hbm>>) target_semaphore(%run_scoped3A : memref<!tpu.dma_semaphore, #tpu.memory_space<semaphore_mem>>)
      %dma_wait3A = arith.constant 0 : i32
      %dma_wait3A_62 = tpu.memref_slice %arg6[%arg0, %mul3A_2, %dma_wait3A] : memref<2x10112x16xf32, #tpu.memory_space<hbm>> -> memref<1x632x16xf32, #tpu.memory_space<hbm>>
      %dma_wait3A_63 = tpu.memref_squeeze %dma_wait3A_62 : memref<1x632x16xf32, #tpu.memory_space<hbm>> -> memref<632x16xf32, #tpu.memory_space<hbm>>
      %dma_wait3A_64 = arith.constant 0 : i32
      %dma_wait3A_65 = tpu.memref_slice %arg13[%mul3A_2, %dma_wait3A_64] : memref<10112x16xf32, #tpu.memory_space<vmem_shared>> -> memref<632x16xf32, #tpu.memory_space<vmem_shared>>
      tpu.wait_dma2 semaphore(%run_scoped3A : memref<!tpu.dma_semaphore, #tpu.memory_space<semaphore_mem>>) src(%dma_wait3A_65 : memref<632x16xf32, #tpu.memory_space<vmem_shared>>) dst(%dma_wait3A_63 : memref<632x16xf32, #tpu.memory_space<hbm>>)
      tpu.yield
    }) : () -> ()
    return
  }
}

module attributes {stable_mosaic.version = 14 : i64} {
  func.func @body(%arg0: i32, %arg1: memref<1000x128xf32, #tpu.memory_space<vmem>>, %arg2: memref<1000x128xf32, #tpu.memory_space<vmem>>, %arg3: memref<2x1000x16xf32, #tpu.memory_space<vmem>>, %arg4: memref<128x128xf32, #tpu.memory_space<vmem>>, %arg5: memref<128x128xf32, #tpu.memory_space<vmem>>, %arg6: memref<1x128xf32, #tpu.memory_space<vmem>>, %arg7: memref<1000x128xf32, #tpu.memory_space<vmem>>) attributes {dimension_semantics = [#tpu.dimension_semantics<arbitrary>], iteration_bounds = array<i64: 10>, scalar_prefetch = 0 : i64, scratch_operands = 0 : i64, tpu.core_type = #tpu.core_type<tc>, window_params = [{transform_indices = @transform_0, window_bounds = array<i64: 1000, 128>}, {transform_indices = @transform_1, window_bounds = array<i64: 1000, 128>}, {transform_indices = @transform_2, window_bounds = array<i64: 2, 1000, 16>}, {pipeline_mode = #tpu.pipeline_mode<synchronous>, transform_indices = @transform_3, window_bounds = array<i64: 128, 128>}, {pipeline_mode = #tpu.pipeline_mode<synchronous>, transform_indices = @transform_4, window_bounds = array<i64: 128, 128>}, {pipeline_mode = #tpu.pipeline_mode<synchronous>, transform_indices = @transform_5, window_bounds = array<i64: 1, 128>}, {transform_indices = @transform_6, window_bounds = array<i64: 1000, 128>}]} {
    %get3A = arith.constant 0 : index
    %get3A_0 = arith.constant 0 : index
    %get3A_1 = arith.constant 0 : index
    %get3A_2 = vector.load %arg3[%get3A, %get3A_0, %get3A_1] : memref<2x1000x16xf32, #tpu.memory_space<vmem>>, vector<1x1000x1xf32>
    %get3A_3 = vector.shape_cast %get3A_2 : vector<1x1000x1xf32> to vector<1000x1xf32>
    %get3A_4 = arith.constant 1 : index
    %get3A_5 = arith.constant 0 : index
    %get3A_6 = arith.constant 0 : index
    %get3A_7 = vector.load %arg3[%get3A_4, %get3A_5, %get3A_6] : memref<2x1000x16xf32, #tpu.memory_space<vmem>>, vector<1x1000x1xf32>
    %get3A_8 = vector.shape_cast %get3A_7 : vector<1x1000x1xf32> to vector<1000x1xf32>
    %add3A = arith.addf %get3A_3, %get3A_8 : vector<1000x1xf32>
    %get3A_9 = arith.constant 0 : index
    %get3A_10 = arith.constant 0 : index
    %get3A_11 = vector.load %arg2[%get3A_9, %get3A_10] : memref<1000x128xf32, #tpu.memory_space<vmem>>, vector<1000x128xf32>
    %max3A = arith.constant 1.000000e+00 : f32
    %max3A_12 = vector.broadcast %max3A : f32 to vector<1000x1xf32>
    %max3A_13 = arith.maximumf %add3A, %max3A_12 : vector<1000x1xf32>
    %div3A = vector.broadcast %max3A_13 : vector<1000x1xf32> to vector<1000x128xf32>
    %div3A_14 = arith.divf %get3A_11, %div3A : vector<1000x128xf32>
    %get3A_15 = arith.constant 0 : index
    %get3A_16 = arith.constant 0 : index
    %get3A_17 = vector.load %arg4[%get3A_15, %get3A_16] : memref<128x128xf32, #tpu.memory_space<vmem>>, vector<128x128xf32>
    %dot_general3A = arith.constant dense<0.000000e+00> : vector<1000x128xf32>
    %dot_general3A_18 = tpu.matmul %div3A_14, %get3A_17, %dot_general3A {dimension_numbers = #tpu.dot_dimension_numbers<[1], [0], [0], [1], [0, 0, 1, 1], [], []>, transpose_lhs_hint = false} : vector<1000x128xf32>, vector<128x128xf32>, vector<1000x128xf32> -> vector<1000x128xf32>
    %get3A_19 = arith.constant 0 : index
    %get3A_20 = arith.constant 0 : index
    %get3A_21 = vector.load %arg1[%get3A_19, %get3A_20] : memref<1000x128xf32, #tpu.memory_space<vmem>>, vector<1000x128xf32>
    %get3A_22 = arith.constant 0 : index
    %get3A_23 = arith.constant 0 : index
    %get3A_24 = vector.load %arg5[%get3A_22, %get3A_23] : memref<128x128xf32, #tpu.memory_space<vmem>>, vector<128x128xf32>
    %dot_general3A_25 = arith.constant dense<0.000000e+00> : vector<1000x128xf32>
    %dot_general3A_26 = tpu.matmul %get3A_21, %get3A_24, %dot_general3A_25 {dimension_numbers = #tpu.dot_dimension_numbers<[1], [0], [0], [1], [0, 0, 1, 1], [], []>, transpose_lhs_hint = false} : vector<1000x128xf32>, vector<128x128xf32>, vector<1000x128xf32> -> vector<1000x128xf32>
    %add3A_27 = arith.addf %dot_general3A_18, %dot_general3A_26 : vector<1000x128xf32>
    %get3A_28 = arith.constant 0 : index
    %get3A_29 = arith.constant 0 : index
    %get3A_30 = vector.load %arg6[%get3A_28, %get3A_29] : memref<1x128xf32, #tpu.memory_space<vmem>>, vector<1x128xf32>
    %add3A_31 = vector.broadcast %get3A_30 : vector<1x128xf32> to vector<1000x128xf32>
    %add3A_32 = arith.addf %add3A_27, %add3A_31 : vector<1000x128xf32>
    %max3A_33 = arith.constant 0.000000e+00 : f32
    %max3A_34 = vector.broadcast %max3A_33 : f32 to vector<1000x128xf32>
    %max3A_35 = arith.maximumf %add3A_32, %max3A_34 : vector<1000x128xf32>
    %swap3A = arith.constant 0 : index
    %swap3A_36 = arith.constant 0 : index
    %swap3A_37 = vector.load %arg7[%swap3A, %swap3A_36] : memref<1000x128xf32, #tpu.memory_space<vmem>>, vector<1000x128xf32>
    tpu.vector_store %arg7[%swap3A, %swap3A_36], %max3A_35 {strides = array<i32>} : memref<1000x128xf32, #tpu.memory_space<vmem>>, vector<1000x128xf32>,
    return
  }
  func.func @transform_0(%arg0: i32) -> (i32, i32) {
    %c0_i32 = arith.constant 0 : i32
    %c0_i32_0 = arith.constant 0 : i32
    return %arg0, %c0_i32 : i32, i32
  }
  func.func @transform_1(%arg0: i32) -> (i32, i32) {
    %c0_i32 = arith.constant 0 : i32
    %c0_i32_0 = arith.constant 0 : i32
    return %arg0, %c0_i32 : i32, i32
  }
  func.func @transform_2(%arg0: i32) -> (i32, i32, i32) {
    %c0_i32 = arith.constant 0 : i32
    %c0_i32_0 = arith.constant 0 : i32
    %c0_i32_1 = arith.constant 0 : i32
    return %c0_i32, %arg0, %c0_i32_0 : i32, i32, i32
  }
  func.func @transform_3(%arg0: i32) -> (i32, i32) {
    %c0_i32 = arith.constant 0 : i32
    %c0_i32_0 = arith.constant 0 : i32
    %c0_i32_1 = arith.constant 0 : i32
    return %c0_i32, %c0_i32_0 : i32, i32
  }
  func.func @transform_4(%arg0: i32) -> (i32, i32) {
    %c0_i32 = arith.constant 0 : i32
    %c0_i32_0 = arith.constant 0 : i32
    %c0_i32_1 = arith.constant 0 : i32
    return %c0_i32, %c0_i32_0 : i32, i32
  }
  func.func @transform_5(%arg0: i32) -> (i32, i32) {
    %c0_i32 = arith.constant 0 : i32
    %c0_i32_0 = arith.constant 0 : i32
    %c0_i32_1 = arith.constant 0 : i32
    return %c0_i32, %c0_i32_0 : i32, i32
  }
  func.func @transform_6(%arg0: i32) -> (i32, i32) {
    %c0_i32 = arith.constant 0 : i32
    %c0_i32_0 = arith.constant 0 : i32
    return %arg0, %c0_i32 : i32, i32
  }
}

</mosaic_0001>

<sc_bundles>
// kernel: kernel.4.cloned.1.call-start
scs
__scs_entry_jumppad:
0x0: {  	(pc) =	sbr.rel $0x88, $3  }
0x1: {  	(tag) =	ssettag $0x0;
	lr =	simm.s32 $0x1  }
0x2: {  	[smem:$0x3F9C] =	sst lr;
	_ =	strace $0xD0000000  }
0x3: {  	_ = 	snop  }
0x4: {  	_ = 	snop  }
0x5: {  	_ = 	snop  }
0x6: {  	_ = 	snop  }
0x7: {  	_ = 	snop  }
__scs_overlays_trampoline_lowered:
0x8: {  	[smem:$0x3FAB] =	sst s0  }
0x9: {  	[smem:$0x3FAC] =	sst s1  }
0xa: {  	[smem:$0x3FAD] =	sst s2  }
0xb: {  	[smem:$0x3FAE] =	sst s3  }
0xc: {  	[smem:$0x3FAF] =	sst s4  }
0xd: {  	[smem:$0x3FB0] =	sst s5  }
0xe: {  	[smem:$0x3FB1] =	sst s6  }
0xf: {  	[smem:$0x3FB2] =	sst s7  }
0x10: {  	[smem:$0x3FB3] =	sst s8  }
0x11: {  	[smem:$0x3FB4] =	sst s9;
	s0 =	simm.s32 @!p0 $0x0  }
0x12: {  	s1 =	sld [smem:$0x3F9A];
	s0 =	simm.s32 @p0 $0x1  }
0x13: {  	[smem:$0x3FB5] =	sst s0;
	s0 =	simm.s32 @!p1 $0x0  }
0x14: {  	s2 =	sld [smem:$0x3F99];
	s0 =	simm.s32 @p1 $0x1  }
0x15: {  	[smem:$0x3FB6] =	sst s0;
	s0 =	simm.s32 @!p2 $0x0  }
0x16: {  	s3 =	sld [smem:$0x3FDB];
	s0 =	simm.s32 @p2 $0x1  }
0x17: {  	s4 =	simm.s32 $0x1BF5;
	[smem:$0x3FB8] =	sst s0  }
0x18: {  	s0 =	sld [smem:$0x3F9B];
	_ =	swait.ge [sflag:s4], $0x0  }
0x19: {  	s7 =	sld [smem:$0x3F9C]  }
0x1a: {  	s8 =	sadd.s32 $0xFFFFE003, lr  }
0x1b: {  	s9 =	sadd.s32 $0xFFFFFEF7, lr;
	s5 =	simm.s32 $0xFFFFFFFF;
	p2 =	slt.u32 s8, $0xFFFFF086  }
0x1c: {  	p1 =	slt.u32 s9, $0xF7A;
	s5 =	simm.s32 @!p2 $0x0  }
0x1d: {  	s5 =	simm.s32 @p1 $0x1;
	p0 =	seq.s32 s7, s2  }
0x1e: {  	s7 =	smul.u32 @!p0 $0xF7A, s2;
	p2 =	seq.s32 @!p0 s5, $0x0  }
0x1f: {  	s9 =	smul.u32 $0xF7A, s1;
	s8 =	simm.s32 @!p0 $0x1BF5;
	p2 =	por !p2, p0  }
0x20: {  	[sflag:s8] =	ssyncset.s32 @!p0 $0xFFFFF086;
	s6 =	sadd.s32 @!p0 s3, s7;
	s7 =	simm.s32 @!p0 $0x108  }
0x21: {  	s3 =	sadd.s32 s3, s9;
	s6 =	sadd.s32 @!p0 $0x88, s6;
	s7 =	simm.s32 @p2 $0x1082  }
0x22: {  	[simem:s7], [sflag:s8] =	dma.local @!p0 [hbm:s6], $0xF7A  }
0x23: {  	s9 =	sor.u32 $0xD0000000, s2;
	s6 =	simm.s32 $0x108;
	_ =	swait.ge @!p0 [sflag:s8], $0x0  }
0x24: {  	s3 =	sadd.s32 $0x88, s3;
	s6 =	simm.s32 @!p1 $0x1082;
	[sflag:s4] =	ssyncset.s32 $0xFFFFF086  }
0x25: {  	[simem:s6], [sflag:s4] =	dma.local [hbm:s3], $0xF7A  }
0x26: {  	[smem:$0x3F9C] =	sst s1;
	(tag) =	ssettag s2;
	_ =	strace s9  }
0x27: {  	s1 =	sld [smem:$0x3FAC]  }
0x28: {  	s2 =	sld [smem:$0x3FAD]  }
0x29: {  	s4 =	sld [smem:$0x3FAF]  }
0x2a: {  	p0 =	seq.s32 s5, $0x0;
	s5 =	sld [smem:$0x3FB0]  }
0x2b: {  	s6 =	sld [smem:$0x3FB1]  }
0x2c: {  	s7 =	sld [smem:$0x3FB2]  }
0x2d: {  	s3 =	simm.s32 $0x108;
	s8 =	sld [smem:$0x3FB3]  }
0x2e: {  	s3 =	simm.s32 @!p0 $0x1082;
	s9 =	sld [smem:$0x3FB4]  }
0x2f: {  	lr =	sadd.s32 s0, s3;
	s0 =	sld [smem:$0x3FAB]  }
0x30: {  	s3 =	sld [smem:$0x3FAE]  }
0x31: {  	[smem:$0x3FB7] =	sst s10  }
0x32: {  	s10 =	sld [smem:$0x3FB5];
	_ =	sdelay $0x3  }
0x33: {  	p0 =	seq.s32 s10, $0x1;
	s10 =	sld [smem:$0x3FB7];
	_ =	sdelay $0x3  }
0x34: {  	[smem:$0x3FB7] =	sst s10  }
0x35: {  	s10 =	sld [smem:$0x3FB6];
	_ =	sdelay $0x3  }
0x36: {  	p1 =	seq.s32 s10, $0x1;
	s10 =	sld [smem:$0x3FB7];
	_ =	sdelay $0x3  }
0x37: {  	[smem:$0x3FB7] =	sst s10  }
0x38: {  	s10 =	sld [smem:$0x3FB8]  }
0x39: {  	_ = 	snop;
	(pc) =	sbr.ind lr, $3  }
0x3a: {  	_ = 	snop  }
0x3b: {  	_ = 	snop  }
0x3c: {  	p2 =	seq.s32 s10, $0x1;
	s10 =	sld [smem:$0x3FB7]  }
0x3d: {  	_ =	shalt  }
0x3e: {  	_ =	shalt  }
0x3f: {  	_ =	shalt  }
0x40: {  	_ =	shalt  }
0x41: {  	_ =	shalt  }
0x42: {  	_ =	shalt  }
0x43: {  	_ =	shalt  }
0x44: {  	_ =	shalt  }
0x45: {  	_ =	shalt  }
0x46: {  	_ =	shalt  }
0x47: {  	_ =	shalt  }
0x48: {  	_ =	shalt  }
0x49: {  	_ =	shalt  }
0x4a: {  	_ =	shalt  }
0x4b: {  	_ =	shalt  }
0x4c: {  	_ =	shalt  }
0x4d: {  	_ =	shalt  }
0x4e: {  	_ =	shalt  }
0x4f: {  	_ =	shalt  }
0x50: {  	_ =	shalt  }
0x51: {  	_ =	shalt  }
0x52: {  	_ =	shalt  }
0x53: {  	_ =	shalt  }
0x54: {  	_ =	shalt  }
0x55: {  	_ =	shalt  }
0x56: {  	_ =	shalt  }
0x57: {  	_ =	shalt  }
0x58: {  	_ =	shalt  }
0x59: {  	_ =	shalt  }
0x5a: {  	_ =	shalt  }
0x5b: {  	_ =	shalt  }
0x5c: {  	_ =	shalt  }
0x5d: {  	_ =	shalt  }
0x5e: {  	_ =	shalt  }
0x5f: {  	_ =	shalt  }
0x60: {  	_ =	shalt  }
0x61: {  	_ =	shalt  }
0x62: {  	_ =	shalt  }
0x63: {  	_ =	shalt  }
0x64: {  	_ =	shalt  }
0x65: {  	_ =	shalt  }
0x66: {  	_ =	shalt  }
0x67: {  	_ =	shalt  }
0x68: {  	_ =	shalt  }
0x69: {  	_ =	shalt  }
0x6a: {  	_ =	shalt  }
0x6b: {  	_ =	shalt  }
0x6c: {  	_ =	shalt  }
0x6d: {  	_ =	shalt  }
0x6e: {  	_ =	shalt  }
0x6f: {  	_ =	shalt  }
0x70: {  	_ =	shalt  }
0x71: {  	_ =	shalt  }
0x72: {  	_ =	shalt  }
0x73: {  	_ =	shalt  }
0x74: {  	_ =	shalt  }
0x75: {  	_ =	shalt  }
0x76: {  	_ =	shalt  }
0x77: {  	_ =	shalt  }
0x78: {  	_ =	shalt  }
0x79: {  	_ =	shalt  }
0x7a: {  	_ =	shalt  }
0x7b: {  	_ =	shalt  }
0x7c: {  	_ =	shalt  }
0x7d: {  	_ =	shalt  }
0x7e: {  	_ =	shalt  }
0x7f: {  	_ =	shalt  }
0x80: {  	_ =	shalt  }
0x81: {  	_ =	shalt  }
0x82: {  	_ =	shalt  }
0x83: {  	_ =	shalt  }
0x84: {  	_ =	shalt  }
0x85: {  	_ =	shalt  }
0x86: {  	_ =	shalt  }
0x87: {  	_ =	shalt  }
.Lfunc_end0:
.L_simem_size_0:
called_computation_lowered:
.L_overlay_start_0:
0x88: {  	s2 =	sld [smem:$0x3FD9]  }
0x89: {  	s3 =	sld [smem:$0x3FFE];
	_ =	sdelay $0x1  }
0x8a: {  	s1 =	srdreg.scid  }
0x8b: {  	s0 =	sand.u32 $0x1, s1  }
0x8c: {  	s17 =	sshll.u32 s0, $0xA;
	s2 =	sadd.s32 s3, s2  }
0x8d: {  	s2 =	sadd.s32 s2, s17  }
0x8e: {  	[smem:$0x3FC3] =	sst s2  }
0x8f: {  	_ = 	snop  }
0x90: {  	s2 =	sld [smem:$0x3FD0];
	(tm) =	ssettm $0x1  }
0x91: {  	s18 =	sld [smem:$0x3FFB];
	_ =	sdelay $0x3  }
0x92: {  	_ =	strace s18  }
0x93: {  	s3 =	sld [smem:$0x3FFC];
	_ =	sdelay $0x3  }
0x94: {  	_ =	strace s3  }
0x95: {  	s3 =	sld [smem:$0x3FFD];
	_ =	sdelay $0x3  }
0x96: {  	_ =	strace s3  }
0x97: {  	_ =	strace $0x8FFFFFFF  }
0x98: {  	s19 =	sld [smem:$0x3FDB];
	_ =	sdelay $0x1  }
0x99: {  	s4 =	simm.s32 $_scs_section_size  }
0x9a: {  	s5 =	simm.s32 $_size__tile_overlayer_lowered;
	s6 =	simm.s32 $_tile_overlayer_lowered  }
0x9b: {  	s22 =	simm.s32 $0x1BFF;
	s21 =	sshll.u32 s6, $0x1;
	s3 =	sadd.s32 s4, s19  }
0x9c: {  	s7 =	simm.s32 $0x0;
	s20 =	sshll.u32 s5, $0x1;
	s5 =	sadd.s32 s21, s3  }
0x9d: {  	[timem:s7], [sflag:s22] =	dma.local [hbm:s5], s20  }
0x9e: {  	_ =	swait.ge [sflag:s22], s20  }
0x9f: {  	s4 =	ssub.s32 $0x0, s20;
	[sflag:s22] =	ssyncset.done $0x0  }
0xa0: {  	[sflag:s22] =	ssyncadd.s32 s4;
	_ =	sdelay $0x1  }
0xa1: {  	s23 =	simm.s32 $0x1B8B  }
0xa2: {  	_ =	swait.ge [sflag:s23], $0x1  }
0xa3: {  	[sflag:s23] =	ssyncset.done $0x0  }
0xa4: {  	s25 =	simm.s32 $0x1B8E;
	s24 =	sld [smem:$0x3FFE];
	[sflag:s23] =	ssyncadd.s32 $0xFFFFFFFF  }
0xa5: {  	s26 =	simm.s32 $execute0_lowered;
	[smem:$0x3FD2] =	sst s25  }
0xa6: {  	s5 =	sshll.u32 s26, $0x1;
	_ =	strace $0x80000046;
	[dreg:$0x1] =	wrdreg $0xFFFFFFFF  }
0xa7: {  	s28 =	simm.s32 $_size_execute0_lowered;
	s3 =	sadd.s32 s3, s5;
	[dreg:$0x0] =	wrdreg $0x0  }
0xa8: {  	s5 =	sshll.u32 s28, $0x1;
	[dreg:$0x2] =	wrdreg s3  }
0xa9: {  	[dreg:$0x3] =	wrdreg s5  }
0xaa: {  	[dreg:$0x4] =	wrdreg $0xC0  }
0xab: {  	_ =	task [dreg:s7], $0x5FFFF  }
0xac: {  	[dreg:$0x1] =	wrdreg $0xFFFFFFFF  }
0xad: {  	[dreg:$0x0] =	wrdreg $0x60  }
0xae: {  	[dreg:$0x2] =	wrdreg s2  }
0xaf: {  	[dreg:$0x3] =	wrdreg s24  }
0xb0: {  	[dreg:$0x4] =	wrdreg $0xE6000  }
0xb1: {  	[dreg:$0x5] =	wrdreg $0x184000  }
0xb2: {  	[dreg:$0x6] =	wrdreg $0x9  }
0xb3: {  	_ =	task.clear_ibuf [dreg:s7], $0x7FFFF;
	_ =	strace $0x90000046  }
0xb4: {  	s29 =	simm.s32 $0x9;
	_ =	strace $0x80000048  }
0xb5: {  	_ =	swait.ge [sflag:s29], $0x1  }
0xb6: {  	[sflag:s29] =	ssyncadd.s32 $0xFFFFFFFF  }
0xb7: {  	_ =	strace $0x90000048  }
0xb8: {  	_ =	sfence  }
0xb9: {  	s30 =	sld [smem:$0x0];
	_ =	sdelay $0x2  }
0xba: {  	s31 =	sshll.u32 s1, $0xD;
	s1 =	sshrl.u32 s1, $0x2  }
0xbb: {  	s3 =	sand.u32 $0x4000, s31;
	s1 =	sadd.s32 s1, s30  }
0xbc: {  	s0 =	sor.u32 s3, s0;
	s1 =	sshll.u32 s1, $0x11  }
0xbd: {  	s0 =	sor.u32 s1, s0  }
0xbe: {  	s0 =	sadd.s32 $0x8F2B, s0  }
0xbf: {  	[sflag:s0] =	ssyncadd.remote.s32 $0x1  }
0xc0: {  	_ =	sfence.sel $0xFFFF  }
0xc1: {  	[dreg:$0x0] =	wrdreg $0xFFFFFFFF;
	(pc) =	sbr.abs _section_cstart, $3  }
0xc2: {  	[dreg:$0x1] =	wrdreg $0xFFFFFFFF  }
0xc3: {  	_ =	task.clear_ibuf [dreg:s7], $0x2FFFF;
	_ =	strace $0x9FFFFFFF  }
0xc4: {  	(tm) =	ssettm $0x7FFFFFFF  }
0xc5: {  	_ =	shalt  }
tec
execute0_lowered:
.L_overlay_start_1:
0x0: {  	(tag) =	ssettag $0x1  }
0x1: {  	s1 =	rddreg [dreg:$0x0]  }
0x2: {  	s0 =	srdreg.scid;
	s5 =	rddreg [dreg:$0x1]  }
0x3: {  	s13 =	stileid.u32;
	s3 =	rddreg [dreg:$0x2];
	s8 =	simm.s32 $0x0  }
0x4: {  	s28 =	simm.s32 $0x1;
	s29 =	simm.s32 $0x4;
	s7 =	smul.u32 $0x9E0, s13  }
0x5: {  	s30 =	simm.s32 $0x2;
	s31 =	simm.s32 $0x0;
	s10 =	smul.u32 $0x2780, s13  }
0x6: {  	s2 =	sand.u32 $0x1, s0;
	[smem:$0x7FF] =	sst s8;
	s12 =	smul.u32 $0x27800, s13  }
0x7: {  	s0 =	sshll.u32 s0, $0x3;
	s14 =	smul.u32 $0x278, s13;
	s4 =	sshll.u32 s2, $0x4  }
0x8: {  	s15 =	smul.u32 $0x27800, s2;
	s0 =	sand.u32 $0x8, s0;
	s9 =	ssub.s32 $0x2, s2  }
0x9: {  	p0 =	sne.s32 s2, $0x0;
	p1 =	seq.s32 s2, $0x0;
	s6 =	sor.u32 s13, s4  }
0xa: {  	s4 =	rddreg [dreg:$0x3];
	_ =	strace $0x80000047;
	s7 =	sadd.s32 s7, s5  }
0xb: {  	s0 =	sadd.s32 s0, s5;
	s11 =	sshrl.u32 s9, $0x1;
	s17 =	sshrl.u32 s12, $0x2  }
0xc: {  	s18 =	sadd.s32 $0x80, s14;
	s13 =	sadd.s32 $0x100, s14;
	s22 =	sadd.s32 $0x180, s14  }
0xd: {  	s6 =	smul.u32 $0x9E0, s6;
	s8 =	sadd.s32 s10, s15;
	s11 =	ssub.s32 s9, s11  }
0xe: {  	s16 =	sadd.s32 $0x15000, s7;
	s9 =	sadd.s32 s10, s4;
	s19 =	sshll.u32 s18, $0x6  }
0xf: {  	s20 =	sshll.u32 s13, $0x6;
	s21 =	sshll.u32 s13, $0x4;
	s23 =	sshll.u32 s22, $0x6  }
0x10: {  	s24 =	sshll.u32 s22, $0x4;
	s0 =	sadd.s32 s10, s0;
	s8 =	sshrl.u32 s8, $0x3  }
0x11: {  	[dreg:$0x6] =	wrdreg s16;
	s7 =	sadd.s32 s19, s3;
	s15 =	sadd.s32 s24, s4  }
0x12: {  	s19 =	smax.u32 s11, $0x1;
	s24 =	simm.s32 $0xDE00;
	s6 =	sadd.s32 s6, s5  }
0x13: {  	s5 =	sadd.s32 s8, s5;
	s8 =	sadd.s32 s17, s3;
	[dreg:$0x7] =	wrdreg s7  }
0x14: {  	s17 =	sadd.s32 $0x200, s14;
	s14 =	sadd.s32 s23, s3;
	s23 =	simm.s32 $0x9E00  }
0x15: {  	s6 =	sadd.s32 $0x1400, s6;
	s25 =	sshll.u32 s17, $0x6;
	s26 =	sshll.u32 s17, $0x4  }
0x16: {  	[dreg:$0x5] =	wrdreg s6;
	s6 =	sshll.u32 s18, $0x4;
	s16 =	sadd.s32 s25, s3  }
0x17: {  	s17 =	sadd.s32 s26, s4;
	s18 =	sadd.s32 $0x1EE00, s5;
	s6 =	sadd.s32 s6, s4  }
0x18: {  	s25 =	simm.s32 $0x80;
	[dreg:$0x8] =	wrdreg s6;
	s6 =	sadd.s32 s20, s3  }
0x19: {  	s26 =	simm.s32 $0xBE00;
	[dreg:$0x9] =	wrdreg s6;
	s6 =	sadd.s32 s21, s4  }
0x1a: {  	v0 =	vimm.f32 $0.0e+00;
	v1 =	vimm.f32 $1.000000000e+00;
	s20 =	sadd.s32 $0x28C00, s0;
	s21 =	simm.s32 $0x3;
	[dreg:$0xa] =	wrdreg s6  }
.LBB2_1:
0x1b: {  	s0 =	simm.s32 $0x0;
	s2 =	rddreg [dreg:$0x5]  }
0x1c: {  	[tilespmem:s0], [sflag:$0x3] =	stream.linear.gather [hbm4b:s2+s0], $0x4F00, $0x38;
	[tilespmem:$0x1AB80] =	vst v63  }
0x1d: {  	_ =	swait.ge [sflag:s21], $0x4F00  }
0x1e: {  	[sflag:s21] =	ssyncset.done $0x0  }
0x1f: {  	s5 =	simm.s32 $0x4F00;
	s22 =	rddreg [dreg:$0x6];
	[sflag:s21] =	ssyncadd.s32 $0xFFFFB100  }
0x20: {  	[tilespmem:s5], [sflag:$0x3] =	stream.linear.gather [hbm4b:s22+s0], $0x4F00, $0x38;
	[tilespmem:$0x1AB80] =	vst v63  }
0x21: {  	_ =	swait.ge [sflag:s21], $0x4F00  }
0x22: {  	[sflag:s21] =	ssyncset.done $0x0  }
0x23: {  	s0 =	simm.s32 $0x9E20;
	[sflag:s21] =	ssyncadd.s32 $0xFFFFB100  }
0x24: {  	[tilespmem:s0+$0x0] =	vst v0  }
0x25: {  	[tilespmem:s0+$0xFFFFFFE0] =	vst v0  }
0x26: {  	[tilespmem:s0+$0x10] =	vst v0  }
0x27: {  	s2 =	simm.s32 $0x40;
	s5 =	simm.s32 $0x0;
	[tilespmem:s0+$0xFFFFFFF0] =	vst v0  }
.LBB2_2:
0x28: {  	p2 =	sne.s32 s2, $0x1FC0  }
0x29: {  	[tilespmem:s5+$0xDE00] =	vst v0;
	s0 =	sadd.s32 $0x40, s0;
	s5 =	smov.u32 s2;
	s2 =	sadd.s32 $0x40, s2  }
.Ltmp0:
0x2a: {  	[tilespmem:s0+$0x0] =	vst v0;
	(pc) =	sbr.rel @p2 .LBB2_2-.Ltmp0, $4  }
0x2b: {  	_ = 	snop  }
0x2c: {  	[tilespmem:s0+$0xFFFFFFE0] =	vst v0  }
0x2d: {  	[tilespmem:s0+$0x10] =	vst v0  }
0x2e: {  	s5 =	sshra.s32 s5, $0x2;
	[tilespmem:s0+$0xFFFFFFF0] =	vst v0  }
0x2f: {  	[tilespmem:s5+$0xDE00] =	vst v0  }
0x30: {  	[spmem:s8] =	stream.linear.scatter [tilespmem:s23], [sflag:$0x3], $0x2000, $0x38;
	[tilespmem:$0x1AB80] =	vst v63  }
0x31: {  	_ =	swait.ge [sflag:s21], $0x2000  }
0x32: {  	[sflag:s21] =	ssyncset.done $0x0  }
0x33: {  	[sflag:s21] =	ssyncadd.s32 $0xFFFFE000  }
0x34: {  	[spmem:s9] =	stream.linear.scatter [tilespmem:s24], [sflag:$0x3], $0x800, $0x38;
	[tilespmem:$0x1AB80] =	vst v63  }
0x35: {  	_ =	swait.ge [sflag:s21], $0x800  }
0x36: {  	[sflag:s21] =	ssyncset.done $0x0  }
0x37: {  	s0 =	rddreg [dreg:$0x7];
	[sflag:s21] =	ssyncadd.s32 $0xFFFFF800  }
0x38: {  	[spmem:s0] =	stream.linear.scatter [tilespmem:s23], [sflag:$0x3], $0x2000, $0x38;
	[tilespmem:$0x1AB80] =	vst v63  }
0x39: {  	_ =	swait.ge [sflag:s21], $0x2000  }
0x3a: {  	[sflag:s21] =	ssyncset.done $0x0  }
0x3b: {  	s12 =	rddreg [dreg:$0x8];
	[sflag:s21] =	ssyncadd.s32 $0xFFFFE000  }
0x3c: {  	[spmem:s12] =	stream.linear.scatter [tilespmem:s24], [sflag:$0x3], $0x800, $0x38;
	[tilespmem:$0x1AB80] =	vst v63  }
0x3d: {  	_ =	swait.ge [sflag:s21], $0x800  }
0x3e: {  	[sflag:s21] =	ssyncset.done $0x0  }
0x3f: {  	s13 =	rddreg [dreg:$0x9];
	[sflag:s21] =	ssyncadd.s32 $0xFFFFF800  }
0x40: {  	[spmem:s13] =	stream.linear.scatter [tilespmem:s23], [sflag:$0x3], $0x2000, $0x38;
	[tilespmem:$0x1AB80] =	vst v63  }
0x41: {  	_ =	swait.ge [sflag:s21], $0x2000  }
0x42: {  	[sflag:s21] =	ssyncset.done $0x0  }
0x43: {  	s22 =	rddreg [dreg:$0xa];
	[sflag:s21] =	ssyncadd.s32 $0xFFFFE000  }
0x44: {  	[spmem:s22] =	stream.linear.scatter [tilespmem:s24], [sflag:$0x3], $0x800, $0x38;
	[tilespmem:$0x1AB80] =	vst v63  }
0x45: {  	_ =	swait.ge [sflag:s21], $0x800  }
0x46: {  	[sflag:s21] =	ssyncset.done $0x0  }
0x47: {  	[sflag:s21] =	ssyncadd.s32 $0xFFFFF800  }
0x48: {  	[spmem:s14] =	stream.linear.scatter [tilespmem:s23], [sflag:$0x3], $0x2000, $0x38;
	[tilespmem:$0x1AB80] =	vst v63  }
0x49: {  	_ =	swait.ge [sflag:s21], $0x2000  }
0x4a: {  	[sflag:s21] =	ssyncset.done $0x0  }
0x4b: {  	[sflag:s21] =	ssyncadd.s32 $0xFFFFE000  }
0x4c: {  	[spmem:s15] =	stream.linear.scatter [tilespmem:s24], [sflag:$0x3], $0x800, $0x38;
	[tilespmem:$0x1AB80] =	vst v63  }
0x4d: {  	_ =	swait.ge [sflag:s21], $0x800  }
0x4e: {  	[sflag:s21] =	ssyncset.done $0x0  }
0x4f: {  	[sflag:s21] =	ssyncadd.s32 $0xFFFFF800  }
0x50: {  	[spmem:s16] =	stream.linear.scatter [tilespmem:s23], [sflag:$0x3], $0x1E00, $0x38;
	[tilespmem:$0x1AB80] =	vst v63  }
0x51: {  	_ =	swait.ge [sflag:s21], $0x1E00  }
0x52: {  	[sflag:s21] =	ssyncset.done $0x0  }
0x53: {  	[sflag:s21] =	ssyncadd.s32 $0xFFFFE200  }
0x54: {  	[spmem:s17] =	stream.linear.scatter [tilespmem:s24], [sflag:$0x3], $0x780, $0x38;
	[tilespmem:$0x1AB80] =	vst v63  }
0x55: {  	_ =	swait.ge [sflag:s21], $0x780  }
0x56: {  	[sflag:s21] =	ssyncset.done $0x0  }
0x57: {  	s2 =	simm.s32 $0x0;
	s0 =	simm.s32 $0x40;
	[sflag:s21] =	ssyncadd.s32 $0xFFFFF880  }
.LBB2_4:
0x58: {  	p2 =	sne.s32 s0, $0x1FC0;
	[tilespmem:s2+$0xDE00] =	vst v1;
	s2 =	smov.u32 s0;
	s0 =	sadd.s32 $0x40, s0  }
.Ltmp1:
0x59: {  	(pc) =	sbr.rel @p2 .LBB2_4-.Ltmp1, $2  }
0x5a: {  	_ =	sdelay $0x2  }
0x5b: {  	s2 =	sshra.s32 s2, $0x2  }
0x5c: {  	[tilespmem:s2+$0xDE00] =	vst v1  }
0x5d: {  	s0 =	simm.s32 $0x0;
	[bflag:$0x0] =	sbarrier.arrive $0xFFFF  }
0x5e: {  	[tilespmem:s23], [sflag:$0x1] =	stream.indirect.gather [hbm4b:s1+s25], $0x40, s0, s25, $0xb8;
	[tilespmem:$0x1AB80] =	vst v63  }
0x5f: {  	s12 =	simm.s32 $0x80  }
0x60: {  	[tilespmem:s26], [sflag:$0x2] =	stream.indirect.gather [hbm4b:s1+s25], $0x40, s12, s25, $0xb8;
	[tilespmem:$0x1AB80] =	vst v63  }
0x61: {  	_ =	swait.ge [sflag:s28], $0x2000  }
0x62: {  	[sflag:s28] =	ssyncset.done $0x0  }
0x63: {  	s5 =	simm.s32 $0x4F00;
	[sflag:s28] =	ssyncadd.s32 $0xFFFFE000  }
0x64: {  	[spmem:s3] =	stream.indirect.scatter.add.f32 [tilespmem:s23], [sflag:$0x4], $0x40, s5, s25, $0xb8;
	[tilespmem:$0x1AB80] =	vst v63  }
0x65: {  	_ =	swait.ge [sflag:s29], $0x2000  }
0x66: {  	s2 =	simm.s32 @!p0 $0x4;
	[sflag:s29] =	ssyncset.done $0x0  }
0x67: {  	s22 =	simm.s32 @!p0 $0xDE00;
	s0 =	simm.s32 @!p0 $0x80;
	[sflag:s29] =	ssyncadd.s32 $0xFFFFE000  }
0x68: {  	[spmem:s4] =	stream.indirect.scatter.add.f32 @!p0 [tilespmem:s22], [sflag:$0x4], $0x10, s5, s0, $0xb8;
	[tilespmem:$0x1AB80] =	vst v63  }
0x69: {  	_ =	swait.ge @!p0 [sflag:s2], $0x800  }
0x6a: {  	[sflag:s2] =	ssyncset.done @!p0 $0x0  }
0x6b: {  	s13 =	simm.s32 $0x100;
	[sflag:s2] =	ssyncadd.s32 @!p0 $0xFFFFF800  }
0x6c: {  	[tilespmem:s23], [sflag:$0x1] =	stream.indirect.gather [hbm4b:s1+s25], $0x40, s13, s25, $0xb8;
	[tilespmem:$0x1AB80] =	vst v63  }
0x6d: {  	_ =	swait.ge [sflag:s30], $0x2000  }
0x6e: {  	[sflag:s30] =	ssyncset.done $0x0  }
0x6f: {  	s5 =	simm.s32 $0x4F80;
	[sflag:s30] =	ssyncadd.s32 $0xFFFFE000  }
0x70: {  	[spmem:s3] =	stream.indirect.scatter.add.f32 [tilespmem:s26], [sflag:$0x4], $0x40, s5, s25, $0xb8;
	[tilespmem:$0x1AB80] =	vst v63  }
0x71: {  	_ =	swait.ge [sflag:s29], $0x2000  }
0x72: {  	s6 =	simm.s32 @!p1 $0x3;
	[sflag:s29] =	ssyncset.done $0x0  }
0x73: {  	s7 =	simm.s32 @!p1 $0x80;
	s10 =	simm.s32 @!p1 $0xDE00;
	[sflag:s29] =	ssyncadd.s32 $0xFFFFE000  }
0x74: {  	[spmem:s4] =	stream.indirect.scatter.add.f32 @!p1 [tilespmem:s10], [sflag:$0x3], $0x10, s5, s7, $0xb8;
	[tilespmem:$0x1AB80] =	vst v63  }
0x75: {  	_ =	swait.ge @!p1 [sflag:s6], $0x800  }
0x76: {  	s11 =	simm.s32 $0x800;
	s5 =	simm.s32 $0x100;
	[sflag:s6] =	ssyncset.done @!p1 $0x0  }
.LBB2_6:
0x77: {  	s12 =	sadd.s32 $0x80, s5  }
0x78: {  	[sflag:s6] =	ssyncadd.s32 @!p1 $0xFFFFF800;
	s13 =	smov.u32 s11;
	s11 =	sadd.s32 $0x400, s11  }
0x79: {  	[tilespmem:s26], [sflag:$0x2] =	stream.indirect.gather [hbm4b:s1+s25], $0x40, s12, s25, $0xb8;
	[tilespmem:$0x1AB80] =	vst v63  }
0x7a: {  	p2 =	sne.s32 s11, $0x13800;
	_ =	swait.ge [sflag:s28], $0x2000  }
0x7b: {  	[sflag:s28] =	ssyncset.done $0x0  }
0x7c: {  	s12 =	sadd.s32 $0x4F00, s5;
	[sflag:s28] =	ssyncadd.s32 $0xFFFFE000  }
0x7d: {  	[spmem:s3] =	stream.indirect.scatter.add.f32 [tilespmem:s23], [sflag:$0x4], $0x40, s12, s25, $0xb8;
	[tilespmem:$0x1AB80] =	vst v63  }
0x7e: {  	_ =	swait.ge [sflag:s29], $0x2000  }
0x7f: {  	[sflag:s29] =	ssyncset.done $0x0  }
0x80: {  	[sflag:s29] =	ssyncadd.s32 $0xFFFFE000  }
0x81: {  	[spmem:s4] =	stream.indirect.scatter.add.f32 @!p0 [tilespmem:s22], [sflag:$0x4], $0x10, s12, s0, $0xb8;
	[tilespmem:$0x1AB80] =	vst v63  }
0x82: {  	_ =	swait.ge @!p0 [sflag:s2], $0x800  }
0x83: {  	[sflag:s2] =	ssyncset.done @!p0 $0x0  }
0x84: {  	s12 =	sadd.s32 $0x100, s5;
	[sflag:s2] =	ssyncadd.s32 @!p0 $0xFFFFF800  }
0x85: {  	[tilespmem:s23], [sflag:$0x1] =	stream.indirect.gather [hbm4b:s1+s25], $0x40, s12, s25, $0xb8;
	[tilespmem:$0x1AB80] =	vst v63  }
0x86: {  	_ =	swait.ge [sflag:s30], $0x2000  }
0x87: {  	[sflag:s30] =	ssyncset.done $0x0  }
0x88: {  	s5 =	sadd.s32 $0x4F80, s5;
	[sflag:s30] =	ssyncadd.s32 $0xFFFFE000  }
0x89: {  	[spmem:s3] =	stream.indirect.scatter.add.f32 [tilespmem:s26], [sflag:$0x4], $0x40, s5, s25, $0xb8;
	[tilespmem:$0x1AB80] =	vst v63  }
0x8a: {  	_ =	swait.ge [sflag:s29], $0x2000  }
.Ltmp2:
0x8b: {  	[sflag:s29] =	ssyncset.done $0x0;
	(pc) =	sbr.rel @p2 .LBB2_6-.Ltmp2, $4  }
0x8c: {  	[sflag:s29] =	ssyncadd.s32 $0xFFFFE000  }
0x8d: {  	[spmem:s4] =	stream.indirect.scatter.add.f32 @!p1 [tilespmem:s10], [sflag:$0x3], $0x10, s5, s7, $0xb8;
	[tilespmem:$0x1AB80] =	vst v63  }
0x8e: {  	_ =	swait.ge @!p1 [sflag:s6], $0x800  }
0x8f: {  	s5 =	sshra.s32 s13, $0x2;
	[sflag:s6] =	ssyncset.done @!p1 $0x0  }
0x90: {  	s0 =	sadd.s32 $0x80, s5;
	[sflag:s6] =	ssyncadd.s32 @!p1 $0xFFFFF800  }
0x91: {  	[tilespmem:s26], [sflag:$0x2] =	stream.indirect.gather [hbm4b:s1+s25], $0x40, s0, s25, $0xb8;
	[tilespmem:$0x1AB80] =	vst v63  }
0x92: {  	_ =	swait.ge [sflag:s28], $0x2000  }
0x93: {  	[sflag:s28] =	ssyncset.done $0x0  }
0x94: {  	s2 =	sadd.s32 $0x4F00, s5;
	[sflag:s28] =	ssyncadd.s32 $0xFFFFE000  }
0x95: {  	[spmem:s3] =	stream.indirect.scatter.add.f32 [tilespmem:s23], [sflag:$0x4], $0x40, s2, s25, $0xb8;
	[tilespmem:$0x1AB80] =	vst v63  }
0x96: {  	_ =	swait.ge [sflag:s29], $0x2000  }
0x97: {  	s6 =	simm.s32 @!p0 $0x80;
	[sflag:s29] =	ssyncset.done $0x0  }
0x98: {  	s7 =	simm.s32 @!p0 $0xDE00;
	s0 =	simm.s32 @!p0 $0x4;
	[sflag:s29] =	ssyncadd.s32 $0xFFFFE000  }
0x99: {  	[spmem:s4] =	stream.indirect.scatter.add.f32 @!p0 [tilespmem:s7], [sflag:$0x4], $0x10, s2, s6, $0xb8;
	[tilespmem:$0x1AB80] =	vst v63  }
0x9a: {  	_ =	swait.ge @!p0 [sflag:s0], $0x800  }
0x9b: {  	[sflag:s0] =	ssyncset.done @!p0 $0x0  }
0x9c: {  	s13 =	sadd.s32 $0x100, s5;
	[sflag:s0] =	ssyncadd.s32 @!p0 $0xFFFFF800  }
0x9d: {  	[tilespmem:s23], [sflag:$0x1] =	stream.indirect.gather [hbm4b:s1+s25], $0x40, s13, s25, $0xb8;
	[tilespmem:$0x1AB80] =	vst v63  }
0x9e: {  	_ =	swait.ge [sflag:s30], $0x2000  }
0x9f: {  	[sflag:s30] =	ssyncset.done $0x0  }
0xa0: {  	s2 =	sadd.s32 $0x4F80, s5;
	[sflag:s30] =	ssyncadd.s32 $0xFFFFE000  }
0xa1: {  	[spmem:s3] =	stream.indirect.scatter.add.f32 [tilespmem:s26], [sflag:$0x4], $0x40, s2, s25, $0xb8;
	[tilespmem:$0x1AB80] =	vst v63  }
0xa2: {  	_ =	swait.ge [sflag:s29], $0x2000  }
0xa3: {  	[sflag:s29] =	ssyncset.done $0x0  }
0xa4: {  	s10 =	simm.s32 @!p1 $0xDE00;
	s5 =	simm.s32 @!p1 $0x80;
	[sflag:s29] =	ssyncadd.s32 $0xFFFFE000  }
0xa5: {  	[spmem:s4] =	stream.indirect.scatter.add.f32 @!p1 [tilespmem:s10], [sflag:$0x3], $0x10, s2, s5, $0xb8;
	[tilespmem:$0x1AB80] =	vst v63  }
0xa6: {  	s2 =	simm.s32 @!p1 $0x3  }
0xa7: {  	_ =	swait.ge @!p1 [sflag:s2], $0x800  }
0xa8: {  	[sflag:s2] =	ssyncset.done @!p1 $0x0  }
0xa9: {  	s22 =	simm.s32 $0x4E80;
	[sflag:s2] =	ssyncadd.s32 @!p1 $0xFFFFF800  }
0xaa: {  	[tilespmem:s26], [sflag:$0x2] =	stream.indirect.gather [hbm4b:s1+s25], $0x40, s22, s25, $0xb8;
	[tilespmem:$0x1AB80] =	vst v63  }
0xab: {  	_ =	swait.ge [sflag:s28], $0x2000  }
0xac: {  	[sflag:s28] =	ssyncset.done $0x0  }
0xad: {  	s5 =	simm.s32 $0x9D00;
	[sflag:s28] =	ssyncadd.s32 $0xFFFFE000  }
0xae: {  	[spmem:s3] =	stream.indirect.scatter.add.f32 [tilespmem:s23], [sflag:$0x4], $0x40, s5, s25, $0xb8;
	[tilespmem:$0x1AB80] =	vst v63  }
0xaf: {  	_ =	swait.ge [sflag:s29], $0x2000  }
0xb0: {  	[sflag:s29] =	ssyncset.done $0x0  }
0xb1: {  	s2 =	simm.s32 @p0 $0x2;
	[sflag:s29] =	ssyncadd.s32 $0xFFFFE000  }
0xb2: {  	_ =	swait.ge @p0 [sflag:s2], $0x2000  }
0xb3: {  	s10 =	simm.s32 @p0 $0xBE00;
	[sflag:s2] =	ssyncset.done @p0 $0x0  }
0xb4: {  	s5 =	simm.s32 @p0 $0x9D80;
	[sflag:s2] =	ssyncadd.s32 @p0 $0xFFFFE000;
	s2 =	simm.s32 @p0 $0x80  }
0xb5: {  	[spmem:s3] =	stream.indirect.scatter.add.f32 @p0 [tilespmem:s10], [sflag:$0x4], $0x40, s5, s2, $0xb8;
	[tilespmem:$0x1AB80] =	vst v63  }
0xb6: {  	s10 =	simm.s32 @p0 $0x4  }
0xb7: {  	_ =	swait.ge @p0 [sflag:s10], $0x2000  }
0xb8: {  	[sflag:s10] =	ssyncset.done @p0 $0x0  }
0xb9: {  	[sflag:s10] =	ssyncadd.s32 @p0 $0xFFFFE000;
	s10 =	simm.s32 @p0 $0xDE00  }
0xba: {  	[spmem:s4] =	stream.indirect.scatter.add.f32 @p0 [tilespmem:s10], [sflag:$0x3], $0x10, s5, s2, $0xb8;
	[tilespmem:$0x1AB80] =	vst v63  }
0xbb: {  	s2 =	simm.s32 @p0 $0x3  }
0xbc: {  	_ =	swait.ge @p0 [sflag:s2], $0x800  }
0xbd: {  	[sflag:s2] =	ssyncset.done @p0 $0x0  }
0xbe: {  	[sflag:s2] =	ssyncadd.s32 @p0 $0xFFFFF800;
	s2 =	simm.s32 @!p0 $0x9D00  }
0xbf: {  	[spmem:s4] =	stream.indirect.scatter.add.f32 @!p0 [tilespmem:s7], [sflag:$0x4], $0x10, s2, s6, $0xb8;
	[tilespmem:$0x1AB80] =	vst v63  }
0xc0: {  	_ =	swait.ge @!p0 [sflag:s0], $0x800  }
0xc1: {  	[sflag:s0] =	ssyncset.done @!p0 $0x0  }
0xc2: {  	s2 =	simm.s32 @!p0 $0x2;
	[sflag:s0] =	ssyncadd.s32 @!p0 $0xFFFFF800  }
0xc3: {  	_ =	swait.ge @!p0 [sflag:s2], $0x2000  }
0xc4: {  	[sflag:s2] =	ssyncset.done @!p0 $0x0  }
0xc5: {  	s5 =	simm.s32 @!p0 $0xBE00;
	[sflag:s2] =	ssyncadd.s32 @!p0 $0xFFFFE000;
	s2 =	simm.s32 @!p0 $0x9D80  }
0xc6: {  	[spmem:s3] =	stream.indirect.scatter.add.f32 @!p0 [tilespmem:s5], [sflag:$0x4], $0x40, s2, s6, $0xb8;
	[tilespmem:$0x1AB80] =	vst v63  }
0xc7: {  	_ =	swait.ge @!p0 [sflag:s0], $0x2000  }
0xc8: {  	s11 =	sshrl.u32 s8, $0x3;
	s10 =	stileid.u32;
	[sflag:s0] =	ssyncset.done @!p0 $0x0  }
0xc9: {  	s12 =	simm.s32 $0x10;
	[sflag:s0] =	ssyncadd.s32 @!p0 $0xFFFFE000;
	s0 =	sshll.u32 s10, $0x6  }
0xca: {  	s13 =	simm.s32 $0x8;
	[bflag:$0x0] =	sbarrier.arrive $0xFFFF;
	s0 =	sor.u32 $0x1C03, s0  }
0xcb: {  	[hbm:s20@s12], [sflag:s0] =	dma.strided [spmem:s11@s13], $0x13C0, s28, $0x8   }
0xcc: {  	s31 =	sadd.s32 $0x1, s31;
	_ =	swait.ge [sflag:s21], $0x13C0  }
0xcd: {  	p2 =	sne.s32 s31, s19;
	[sflag:s21] =	ssyncset.done $0x0  }
.Ltmp3:
0xce: {  	s22 =	sshrl.u32 s9, $0x3;
	[sflag:s21] =	ssyncadd.s32 $0xFFFFEC40;
	(pc) =	sbr.rel @p2 .LBB2_1-.Ltmp3, $4  }
0xcf: {  	[hbm:s18], [sflag:s0] =	dma.local [spmem:s22], $0x4F0  }
0xd0: {  	_ =	swait.ge [sflag:s21], $0x4F0  }
0xd1: {  	[sflag:s21] =	ssyncset.done $0x0  }
0xd2: {  	[sflag:s21] =	ssyncadd.s32 $0xFFFFFB10  }
0xd3: {  	_ =	sfence.sel $0x180000  }
0xd4: {  	[bflag:$0x0] =	sbarrier.arrive $0xFFFF  }
0xd5: {  	_ =	strace $0x90000047  }
0xd6: {  	s0 =	stileid.u32;
	[bflag:$0x2] =	sbarrier.arrive $0xFFFF  }
0xd7: {  	p0 =	sne.s32 s0, $0x0;
	s0 =	rddreg [dreg:$0x4]  }
0xd8: {  	s0 =	sadd.s32 @!p0 $0x100000, s0  }
0xd9: {  	[sflag:s0] =	ssyncadd.tile.s32 @!p0 $0x1;
	_ =	shalt  }
.Lfunc_end2:
_tile_overlayer_lowered:
.L_overlay_start_2:
0xda: {  	(tag) =	ssettag $0x2  }
0xdb: {  	s0 =	rddreg [dreg:$0x0];
	s2 =	stileid.u32  }
0xdc: {  	s1 =	rddreg [dreg:$0x1];
	p0 =	sne.s32 s2, $0x0  }
0xdd: {  	s3 =	rddreg [dreg:$0x2];
	[bflag:$0x3] =	sbarrier.arrive $0xFFFF;
	s2 =	simm.s32 @!p0 $0x1C03  }
0xde: {  	[timem:s3], [sflag:s2] =	dma.local @!p0 [hbm:s0], s1  }
0xdf: {  	s0 =	simm.s32 @!p0 $0x3  }
0xe0: {  	_ =	swait.ge @!p0 [sflag:s0], s1  }
0xe1: {  	s1 =	ssub.s32 @!p0 $0x0, s1;
	[sflag:s0] =	ssyncset.done @!p0 $0x0  }
0xe2: {  	[sflag:s0] =	ssyncadd.s32 @!p0 s1  }
0xe3: {  	[bflag:$0x3] =	sbarrier.arrive $0xFFFF  }
0xe4: {  	_ =	shalt  }

</sc_bundles>
